<compile_context>
chip_gen: v7x
topology: tpu7x:2x2x1
jax: 0.10.2.dev20260603
libtpu: 0.0.44.dev20260713+nightly
codegen_flags: <defaults>
</compile_context>

<pallas_src>
import jax
import jax.numpy as jnp
from jax import lax
from jax.experimental import pallas as pl
from jax.experimental.pallas import tpu as pltpu
from jax.experimental.pallas import tpu_sc as plsc

N = 10000
E = 320000
D = 128
DH = D // 2
NC = 2
NS = 16
EPT = E // NS
CH = 80
NCHUNK = EPT // CH
RPT = 632
RPT_LAST = N - (NS - 1) * RPT
NPAD = 10240
DPT = NPAD // NS


def _make_agg(with_deg: bool):
  mesh = plsc.VectorSubcoreMesh(
      core_axis_name="c", subcore_axis_name="s", num_cores=NC,
      num_subcores=NS)

  out_type = [jax.ShapeDtypeStruct((NC, N, DH), jnp.float32)]
  if with_deg:
    out_type.append(jax.ShapeDtypeStruct((NPAD,), jnp.float32))

  scratch = [
      pltpu.VMEM((CH,), jnp.int32),
      pltpu.VMEM((CH,), jnp.int32),
      pltpu.VMEM((CH, DH), jnp.float32),
      pltpu.VMEM((RPT, DH), jnp.float32),
      pltpu.VMEM_SHARED((N, DH), jnp.float32),
      pltpu.SemaphoreType.DMA,
  ]
  if with_deg:
    scratch += [
        pltpu.VMEM((CH,), jnp.float32),
        pltpu.VMEM((DPT,), jnp.float32),
        pltpu.VMEM_SHARED((NPAD,), jnp.float32),
    ]

  def body(*refs):
    if with_deg:
      (x2_hbm, src_hbm, dst_hbm, agg_out, deg_out,
       src_v, dst_v, rows_v, zrows_v, agg_sh, sem,
       ones_v, zvec_v, deg_sh) = refs
    else:
      (x2_hbm, src_hbm, dst_hbm, agg_out,
       src_v, dst_v, rows_v, zrows_v, agg_sh, sem) = refs

    c = lax.axis_index("c")
    s = lax.axis_index("s")

    def zrow_body(i, _):
      for j in range(DH // 16):
        zrows_v[i, pl.ds(j * 16, 16)] = jnp.zeros((16,), jnp.float32)
      return 0
    lax.fori_loop(0, RPT, zrow_body, 0)
    row0 = s * RPT
    @pl.when(s < NS - 1)
    def _():
      pltpu.sync_copy(zrows_v, agg_sh.at[pl.ds(row0, RPT)])
    @pl.when(s == NS - 1)
    def _():
      pltpu.sync_copy(zrows_v.at[pl.ds(0, RPT_LAST)],
                      agg_sh.at[pl.ds(row0, RPT_LAST)])
    if with_deg:
      def ones_body(i, _):
        ones_v[pl.ds(i * 16, 16)] = jnp.ones((16,), jnp.float32)
        return 0
      lax.fori_loop(0, CH // 16, ones_body, 0)
      def zvec_body(i, _):
        zvec_v[pl.ds(i * 16, 16)] = jnp.zeros((16,), jnp.float32)
        return 0
      lax.fori_loop(0, DPT // 16, zvec_body, 0)
      pltpu.sync_copy(zvec_v, deg_sh.at[pl.ds(s * DPT, DPT)])
    plsc.subcore_barrier()

    ebase = s * EPT

    def chunk_body(i, _):
      base = ebase + i * CH
      pltpu.sync_copy(src_hbm.at[pl.ds(base, CH)], src_v)
      pltpu.sync_copy(dst_hbm.at[pl.ds(base, CH)], dst_v)
      pltpu.async_copy(x2_hbm.at[c].at[src_v], rows_v, sem).wait()
      pltpu.sync_copy(rows_v, agg_sh.at[dst_v], add=True)
      if with_deg:
        @pl.when(c == 0)
        def _():
          pltpu.sync_copy(ones_v, deg_sh.at[dst_v], add=True)
      return 0
    lax.fori_loop(0, NCHUNK, chunk_body, 0)
    plsc.subcore_barrier()

    @pl.when(s < NS - 1)
    def _():
      pltpu.sync_copy(agg_sh.at[pl.ds(row0, RPT)],
                      agg_out.at[c, pl.ds(row0, RPT), :])
    @pl.when(s == NS - 1)
    def _():
      pltpu.sync_copy(agg_sh.at[pl.ds(row0, RPT_LAST)],
                      agg_out.at[c, pl.ds(row0, RPT_LAST), :])
    if with_deg:
      @pl.when(c == 0)
      def _():
        pltpu.sync_copy(deg_sh.at[pl.ds(s * DPT, DPT)],
                        deg_out.at[pl.ds(s * DPT, DPT)])

  return pl.kernel(body, out_type=out_type, mesh=mesh,
                   scratch_types=scratch,
                   compiler_params=pltpu.CompilerParams(
                       use_tc_tiling_on_sc=False))


_agg_with_deg = _make_agg(True)
_agg_no_deg = _make_agg(False)


def _dense(aggp, degp3, x, WlT, bl, WrT, relu):
  BN = 1000
  G = N // BN

  def body(aggp_ref, degp_ref, x_ref, wl_ref, bl_ref, wr_ref, o_ref):
    agg = jnp.concatenate([aggp_ref[0], aggp_ref[1]], axis=1)
    deg = degp_ref[0, 0, :]
    mean = agg / jnp.maximum(deg, 1.0)[:, None]
    acc = jnp.dot(mean, wl_ref[...], preferred_element_type=jnp.float32)
    acc = acc + bl_ref[...]
    acc = acc + jnp.dot(x_ref[...], wr_ref[...],
                        preferred_element_type=jnp.float32)
    if relu:
      acc = jnp.maximum(acc, 0.0)
    o_ref[...] = acc

  return pl.pallas_call(
      body,
      grid=(G,),
      in_specs=[
          pl.BlockSpec((NC, BN, DH), lambda i: (0, i, 0)),
          pl.BlockSpec((1, 1, BN), lambda i: (i, 0, 0)),
          pl.BlockSpec((BN, D), lambda i: (i, 0)),
          pl.BlockSpec((D, D), lambda i: (0, 0)),
          pl.BlockSpec((1, D), lambda i: (0, 0)),
          pl.BlockSpec((D, D), lambda i: (0, 0)),
      ],
      out_specs=pl.BlockSpec((BN, D), lambda i: (i, 0)),
      out_shape=jax.ShapeDtypeStruct((N, D), jnp.float32),
  )(aggp, degp3, x, WlT, bl, WrT)


def kernel(x, edge_index, W1l, b1l, W1r, W2l, b2l, W2r):
  src = edge_index[0].astype(jnp.int32)
  dst = edge_index[1].astype(jnp.int32)

  x2 = x.reshape(N, NC, DH).transpose(1, 0, 2)
  aggp1, deg = _agg_with_deg(x2, src, dst)
  degp3 = deg[:N].reshape(N // 1000, 1, 1000)
  h = _dense(aggp1, degp3, x, W1l.T, b1l.reshape(1, D), W1r.T, relu=True)

  h2 = h.reshape(N, NC, DH).transpose(1, 0, 2)
  aggp2, = _agg_no_deg(h2, src, dst)
  out = _dense(aggp2, degp3, h, W2l.T, b2l.reshape(1, D), W2r.T, relu=False)
  return out

# --- scband reference (transcript-rebuilt; emitter-appended) ---
"""Pipeline reference for scband-gnn-30348238913564 (READ-ONLY COPY).

The authoritative reference and input builder live on the scoring server;
editing this copy changes nothing except your own understanding.
"""

import jax, jax.numpy as jnp
import numpy as np

N_NODES = 10000
N_EDGES = 320000
D = 128

def setup_inputs(seed: int = 0) -> dict:
    key = jax.random.key(seed)
    ks = jax.random.split(key, 9)
    x = jax.random.normal(ks[0], (N_NODES, D), dtype=jnp.float32)
    edge_index = jax.random.randint(ks[1], (2, N_EDGES), 0, N_NODES, dtype=jnp.int64)
    s = 1.0 / np.sqrt(D)
    W1l = jax.random.uniform(ks[2], (D, D), dtype=jnp.float32, minval=-s, maxval=s)
    b1l = jax.random.uniform(ks[3], (D,), dtype=jnp.float32, minval=-s, maxval=s)
    W1r = jax.random.uniform(ks[4], (D, D), dtype=jnp.float32, minval=-s, maxval=s)
    W2l = jax.random.uniform(ks[5], (D, D), dtype=jnp.float32, minval=-s, maxval=s)
    b2l = jax.random.uniform(ks[6], (D,), dtype=jnp.float32, minval=-s, maxval=s)
    W2r = jax.random.uniform(ks[7], (D, D), dtype=jnp.float32, minval=-s, maxval=s)
    return {"x": x, "edge_index": edge_index, "W1l": W1l, "b1l": b1l, "W1r": W1r, "W2l": W2l, "b2l": b2l, "W2r": W2r}

def _sage_conv(x, edge_index, Wl, bl, Wr, num_nodes):
    # PyG SAGEConv with mean aggregation:
    # out = lin_l(mean_{j in N(i)} x_j) + lin_r(x_i)
    src = edge_index[0]
    dst = edge_index[1]
    msgs = jnp.take(x, src, axis=0)                       # gather
    agg = jax.ops.segment_sum(msgs, dst, num_segments=num_nodes)  # scatter-add
    deg = jax.ops.segment_sum(jnp.ones((msgs.shape[0],), dtype=x.dtype), dst, num_segments=num_nodes)
    mean = agg / jnp.clip(deg, 1.0, None)[:, None]
    return mean @ Wl.T + bl + x @ Wr.T

def reference(x, edge_index, W1l, b1l, W1r, W2l, b2l, W2r):
    h = _sage_conv(x, edge_index, W1l, b1l, W1r, N_NODES)
    h = jax.nn.relu(h)
    out = _sage_conv(h, edge_index, W2l, b2l, W2r, N_NODES)
    return out

if __name__ == "__main__":
    import jax
    _d = setup_inputs()
    print(jax.jit(kernel)(*tuple(_d.values())))

</pallas_src>

<mosaic_0001>
#map = affine_map<(d0, d1) -> (0, 0, 0)>
#map1 = affine_map<(d0, d1) -> (0)>
module attributes {stable_mosaic.version = 14 : i64} {
  func.func @body(%arg0: i32, %arg1: i32, %arg2: memref<2x10000x64xf32, #tpu.memory_space<hbm>>, %arg3: memref<320000xi32, #tpu.memory_space<hbm>>, %arg4: memref<320000xi32, #tpu.memory_space<hbm>>, %arg5: memref<2x10000x64xf32, #tpu.memory_space<hbm>>, %arg6: memref<10240xf32, #tpu.memory_space<hbm>>, %arg7: memref<80xi32, #tpu.memory_space<vmem>>, %arg8: memref<80xi32, #tpu.memory_space<vmem>>, %arg9: memref<80x64xf32, #tpu.memory_space<vmem>>, %arg10: memref<632x64xf32, #tpu.memory_space<vmem>>, %arg11: memref<10000x64xf32, #tpu.memory_space<vmem_shared>>, %arg12: memref<!tpu.dma_semaphore, #tpu.memory_space<semaphore_mem>>, %arg13: memref<80xf32, #tpu.memory_space<vmem>>, %arg14: memref<640xf32, #tpu.memory_space<vmem>>, %arg15: memref<10240xf32, #tpu.memory_space<vmem_shared>>) attributes {dimension_semantics = [#tpu.dimension_semantics<core_parallel>, #tpu.dimension_semantics<subcore_parallel>], iteration_bounds = array<i64: 2, 16>, scalar_prefetch = 0 : i64, scratch_operands = 9 : i64, tpu.core_type = #tpu.core_type<sc_vector_subcore>, window_params = [{transform_indices = #map}, {transform_indices = #map1}, {transform_indices = #map1}, {transform_indices = #map}, {transform_indices = #map1}]} {
    %scan3A = arith.constant 0 : i32
    %scan3A_0 = arith.constant 0 : i32
    %scan3A_1 = arith.constant 632 : i32
    %scan3A_2 = arith.addi %scan3A_0, %scan3A_1 : i32
    %scan3A_3 = arith.constant 1 : i32
    %scan3A_4 = scf.for %scan3A_54 = %scan3A_0 to %scan3A_2 step %scan3A_3 iter_args(%scan3A_55 = %scan3A) -> (i32)  : i32 {
      %broadcast_in_dim3A = arith.constant 0.000000e+00 : f32
      %broadcast_in_dim3A_56 = vector.broadcast %broadcast_in_dim3A : f32 to vector<16xf32>
      %swap3A = arith.index_cast %scan3A_54 : i32 to index
      %swap3A_57 = arith.constant 0 : index
      %swap3A_58 = tpu.vector_load %arg10[%swap3A, %swap3A_57] {strides = array<i32>} : memref<632x64xf32, #tpu.memory_space<vmem>>, vector<1x16xf32>,
      %swap3A_59 = vector.shape_cast %swap3A_58 : vector<1x16xf32> to vector<16xf32>
      %swap3A_60 = vector.shape_cast %broadcast_in_dim3A_56 : vector<16xf32> to vector<1x16xf32>
      tpu.vector_store %arg10[%swap3A, %swap3A_57], %swap3A_60 {strides = array<i32>} : memref<632x64xf32, #tpu.memory_space<vmem>>, vector<1x16xf32>,
      %broadcast_in_dim3A_61 = arith.constant 0.000000e+00 : f32
      %broadcast_in_dim3A_62 = vector.broadcast %broadcast_in_dim3A_61 : f32 to vector<16xf32>
      %swap3A_63 = arith.index_cast %scan3A_54 : i32 to index
      %swap3A_64 = arith.constant 16 : index
      %swap3A_65 = tpu.vector_load %arg10[%swap3A_63, %swap3A_64] {strides = array<i32>} : memref<632x64xf32, #tpu.memory_space<vmem>>, vector<1x16xf32>,
      %swap3A_66 = vector.shape_cast %swap3A_65 : vector<1x16xf32> to vector<16xf32>
      %swap3A_67 = vector.shape_cast %broadcast_in_dim3A_62 : vector<16xf32> to vector<1x16xf32>
      tpu.vector_store %arg10[%swap3A_63, %swap3A_64], %swap3A_67 {strides = array<i32>} : memref<632x64xf32, #tpu.memory_space<vmem>>, vector<1x16xf32>,
      %broadcast_in_dim3A_68 = arith.constant 0.000000e+00 : f32
      %broadcast_in_dim3A_69 = vector.broadcast %broadcast_in_dim3A_68 : f32 to vector<16xf32>
      %swap3A_70 = arith.index_cast %scan3A_54 : i32 to index
      %swap3A_71 = arith.constant 32 : index
      %swap3A_72 = tpu.vector_load %arg10[%swap3A_70, %swap3A_71] {strides = array<i32>} : memref<632x64xf32, #tpu.memory_space<vmem>>, vector<1x16xf32>,
      %swap3A_73 = vector.shape_cast %swap3A_72 : vector<1x16xf32> to vector<16xf32>
      %swap3A_74 = vector.shape_cast %broadcast_in_dim3A_69 : vector<16xf32> to vector<1x16xf32>
      tpu.vector_store %arg10[%swap3A_70, %swap3A_71], %swap3A_74 {strides = array<i32>} : memref<632x64xf32, #tpu.memory_space<vmem>>, vector<1x16xf32>,
      %broadcast_in_dim3A_75 = arith.constant 0.000000e+00 : f32
      %broadcast_in_dim3A_76 = vector.broadcast %broadcast_in_dim3A_75 : f32 to vector<16xf32>
      %swap3A_77 = arith.index_cast %scan3A_54 : i32 to index
      %swap3A_78 = arith.constant 48 : index
      %swap3A_79 = tpu.vector_load %arg10[%swap3A_77, %swap3A_78] {strides = array<i32>} : memref<632x64xf32, #tpu.memory_space<vmem>>, vector<1x16xf32>,
      %swap3A_80 = vector.shape_cast %swap3A_79 : vector<1x16xf32> to vector<16xf32>
      %swap3A_81 = vector.shape_cast %broadcast_in_dim3A_76 : vector<16xf32> to vector<1x16xf32>
      tpu.vector_store %arg10[%swap3A_77, %swap3A_78], %swap3A_81 {strides = array<i32>} : memref<632x64xf32, #tpu.memory_space<vmem>>, vector<1x16xf32>,
      %scan3A_82 = arith.constant 0 : i32
      scf.yield %scan3A_82 : i32
    }
    %scan3A_5 = arith.constant 632 : i32
    %mul3A = arith.constant 632 : i32
    %mul3A_6 = arith.muli %arg1, %mul3A : i32
    %lt3A = arith.constant 15 : i32
    %lt3A_7 = arith.cmpi slt, %arg1, %lt3A : i32
    %convert_element_type3A = arith.extui %lt3A_7 : i1 to i32
    %cond3A = arith.constant 0 : i32
    %cond3A_8 = arith.cmpi ne, %convert_element_type3A, %cond3A : i32
    scf.if %cond3A_8 {
      "tpu.region"() ({
        %run_scoped3A = tpu.sem_alloc : memref<!tpu.dma_semaphore, #tpu.memory_space<semaphore_mem>>
        %dma_start3A = arith.constant 0 : i32
        %dma_start3A_54 = tpu.memref_slice %arg11[%mul3A_6, %dma_start3A] : memref<10000x64xf32, #tpu.memory_space<vmem_shared>> -> memref<632x64xf32, #tpu.memory_space<vmem_shared>>
        %dma_start3A_55 = arith.constant 0 : i32
        %dma_start3A_56 = tpu.memref_slice %arg11[%mul3A_6, %dma_start3A_55] : memref<10000x64xf32, #tpu.memory_space<vmem_shared>> -> memref<632x64xf32, #tpu.memory_space<vmem_shared>>
        tpu.enqueue_dma source(%arg10 : memref<632x64xf32, #tpu.memory_space<vmem>>) target(%dma_start3A_56 : memref<632x64xf32, #tpu.memory_space<vmem_shared>>) target_semaphore(%run_scoped3A : memref<!tpu.dma_semaphore, #tpu.memory_space<semaphore_mem>>)
        %dma_wait3A = arith.constant 0 : i32
        %dma_wait3A_57 = tpu.memref_slice %arg11[%mul3A_6, %dma_wait3A] : memref<10000x64xf32, #tpu.memory_space<vmem_shared>> -> memref<632x64xf32, #tpu.memory_space<vmem_shared>>
        %dma_wait3A_58 = arith.constant 0 : i32
        %dma_wait3A_59 = tpu.memref_slice %arg11[%mul3A_6, %dma_wait3A_58] : memref<10000x64xf32, #tpu.memory_space<vmem_shared>> -> memref<632x64xf32, #tpu.memory_space<vmem_shared>>
        tpu.wait_dma2 semaphore(%run_scoped3A : memref<!tpu.dma_semaphore, #tpu.memory_space<semaphore_mem>>) src(%arg10 : memref<632x64xf32, #tpu.memory_space<vmem>>) dst(%dma_wait3A_59 : memref<632x64xf32, #tpu.memory_space<vmem_shared>>)
        tpu.yield
      }) : () -> ()
    } else {
    }
    %eq3A = arith.constant 15 : i32
    %eq3A_9 = arith.cmpi eq, %arg1, %eq3A : i32
    %convert_element_type3A_10 = arith.extui %eq3A_9 : i1 to i32
    %cond3A_11 = arith.constant 0 : i32
    %cond3A_12 = arith.cmpi ne, %convert_element_type3A_10, %cond3A_11 : i32
    scf.if %cond3A_12 {
      "tpu.region"() ({
        %run_scoped3A = tpu.sem_alloc : memref<!tpu.dma_semaphore, #tpu.memory_space<semaphore_mem>>
        %dma_start3A = arith.constant 0 : i32
        %dma_start3A_54 = arith.constant 0 : i32
        %dma_start3A_55 = tpu.memref_slice %arg10[%dma_start3A, %dma_start3A_54] : memref<632x64xf32, #tpu.memory_space<vmem>> -> memref<520x64xf32, #tpu.memory_space<vmem>>
        %dma_start3A_56 = arith.constant 0 : i32
        %dma_start3A_57 = tpu.memref_slice %arg11[%mul3A_6, %dma_start3A_56] : memref<10000x64xf32, #tpu.memory_space<vmem_shared>> -> memref<520x64xf32, #tpu.memory_space<vmem_shared>>
        %dma_start3A_58 = arith.constant 0 : i32
        %dma_start3A_59 = tpu.memref_slice %arg11[%mul3A_6, %dma_start3A_58] : memref<10000x64xf32, #tpu.memory_space<vmem_shared>> -> memref<520x64xf32, #tpu.memory_space<vmem_shared>>
        %dma_start3A_60 = arith.constant 0 : i32
        %dma_start3A_61 = arith.constant 0 : i32
        %dma_start3A_62 = tpu.memref_slice %arg10[%dma_start3A_60, %dma_start3A_61] : memref<632x64xf32, #tpu.memory_space<vmem>> -> memref<520x64xf32, #tpu.memory_space<vmem>>
        tpu.enqueue_dma source(%dma_start3A_62 : memref<520x64xf32, #tpu.memory_space<vmem>>) target(%dma_start3A_59 : memref<520x64xf32, #tpu.memory_space<vmem_shared>>) target_semaphore(%run_scoped3A : memref<!tpu.dma_semaphore, #tpu.memory_space<semaphore_mem>>)
        %dma_wait3A = arith.constant 0 : i32
        %dma_wait3A_63 = arith.constant 0 : i32
        %dma_wait3A_64 = tpu.memref_slice %arg10[%dma_wait3A, %dma_wait3A_63] : memref<632x64xf32, #tpu.memory_space<vmem>> -> memref<520x64xf32, #tpu.memory_space<vmem>>
        %dma_wait3A_65 = arith.constant 0 : i32
        %dma_wait3A_66 = tpu.memref_slice %arg11[%mul3A_6, %dma_wait3A_65] : memref<10000x64xf32, #tpu.memory_space<vmem_shared>> -> memref<520x64xf32, #tpu.memory_space<vmem_shared>>
        %dma_wait3A_67 = arith.constant 0 : i32
        %dma_wait3A_68 = tpu.memref_slice %arg11[%mul3A_6, %dma_wait3A_67] : memref<10000x64xf32, #tpu.memory_space<vmem_shared>> -> memref<520x64xf32, #tpu.memory_space<vmem_shared>>
        %dma_wait3A_69 = arith.constant 0 : i32
        %dma_wait3A_70 = arith.constant 0 : i32
        %dma_wait3A_71 = tpu.memref_slice %arg10[%dma_wait3A_69, %dma_wait3A_70] : memref<632x64xf32, #tpu.memory_space<vmem>> -> memref<520x64xf32, #tpu.memory_space<vmem>>
        tpu.wait_dma2 semaphore(%run_scoped3A : memref<!tpu.dma_semaphore, #tpu.memory_space<semaphore_mem>>) src(%dma_wait3A_71 : memref<520x64xf32, #tpu.memory_space<vmem>>) dst(%dma_wait3A_68 : memref<520x64xf32, #tpu.memory_space<vmem_shared>>)
        tpu.yield
      }) : () -> ()
    } else {
    }
    %scan3A_13 = arith.constant 0 : i32
    %scan3A_14 = arith.constant 0 : i32
    %scan3A_15 = arith.constant 5 : i32
    %scan3A_16 = arith.addi %scan3A_14, %scan3A_15 : i32
    %scan3A_17 = arith.constant 1 : i32
    %scan3A_18 = scf.for %scan3A_54 = %scan3A_14 to %scan3A_16 step %scan3A_17 iter_args(%scan3A_55 = %scan3A_13) -> (i32)  : i32 {
      %broadcast_in_dim3A = arith.constant 1.000000e+00 : f32
      %broadcast_in_dim3A_56 = vector.broadcast %broadcast_in_dim3A : f32 to vector<16xf32>
      %mul3A_57 = arith.constant 16 : i32
      %mul3A_58 = arith.muli %scan3A_54, %mul3A_57 : i32
      %swap3A = arith.index_cast %mul3A_58 : i32 to index
      %swap3A_59 = tpu.vector_load %arg13[%swap3A] {strides = array<i32>} : memref<80xf32, #tpu.memory_space<vmem>>, vector<16xf32>,
      %swap3A_60 = vector.shape_cast %swap3A_59 : vector<16xf32> to vector<16xf32>
      %swap3A_61 = vector.shape_cast %broadcast_in_dim3A_56 : vector<16xf32> to vector<16xf32>
      tpu.vector_store %arg13[%swap3A], %swap3A_61 {strides = array<i32>} : memref<80xf32, #tpu.memory_space<vmem>>, vector<16xf32>,
      %scan3A_62 = arith.constant 0 : i32
      scf.yield %scan3A_62 : i32
    }
    %scan3A_19 = arith.constant 5 : i32
    %scan3A_20 = arith.constant 0 : i32
    %scan3A_21 = arith.constant 0 : i32
    %scan3A_22 = arith.constant 40 : i32
    %scan3A_23 = arith.addi %scan3A_21, %scan3A_22 : i32
    %scan3A_24 = arith.constant 1 : i32
    %scan3A_25 = scf.for %scan3A_54 = %scan3A_21 to %scan3A_23 step %scan3A_24 iter_args(%scan3A_55 = %scan3A_20) -> (i32)  : i32 {
      %broadcast_in_dim3A = arith.constant 0.000000e+00 : f32
      %broadcast_in_dim3A_56 = vector.broadcast %broadcast_in_dim3A : f32 to vector<16xf32>
      %mul3A_57 = arith.constant 16 : i32
      %mul3A_58 = arith.muli %scan3A_54, %mul3A_57 : i32
      %swap3A = arith.index_cast %mul3A_58 : i32 to index
      %swap3A_59 = tpu.vector_load %arg14[%swap3A] {strides = array<i32>} : memref<640xf32, #tpu.memory_space<vmem>>, vector<16xf32>,
      %swap3A_60 = vector.shape_cast %swap3A_59 : vector<16xf32> to vector<16xf32>
      %swap3A_61 = vector.shape_cast %broadcast_in_dim3A_56 : vector<16xf32> to vector<16xf32>
      tpu.vector_store %arg14[%swap3A], %swap3A_61 {strides = array<i32>} : memref<640xf32, #tpu.memory_space<vmem>>, vector<16xf32>,
      %scan3A_62 = arith.constant 0 : i32
      scf.yield %scan3A_62 : i32
    }
    %scan3A_26 = arith.constant 40 : i32
    %mul3A_27 = arith.constant 640 : i32
    %mul3A_28 = arith.muli %arg1, %mul3A_27 : i32
    "tpu.region"() ({
      %run_scoped3A = tpu.sem_alloc : memref<!tpu.dma_semaphore, #tpu.memory_space<semaphore_mem>>
      %dma_start3A = tpu.memref_slice %arg15[%mul3A_28] : memref<10240xf32, #tpu.memory_space<vmem_shared>> -> memref<640xf32, #tpu.memory_space<vmem_shared>>
      %dma_start3A_54 = tpu.memref_slice %arg15[%mul3A_28] : memref<10240xf32, #tpu.memory_space<vmem_shared>> -> memref<640xf32, #tpu.memory_space<vmem_shared>>
      tpu.enqueue_dma source(%arg14 : memref<640xf32, #tpu.memory_space<vmem>>) target(%dma_start3A_54 : memref<640xf32, #tpu.memory_space<vmem_shared>>) target_semaphore(%run_scoped3A : memref<!tpu.dma_semaphore, #tpu.memory_space<semaphore_mem>>)
      %dma_wait3A = tpu.memref_slice %arg15[%mul3A_28] : memref<10240xf32, #tpu.memory_space<vmem_shared>> -> memref<640xf32, #tpu.memory_space<vmem_shared>>
      %dma_wait3A_55 = tpu.memref_slice %arg15[%mul3A_28] : memref<10240xf32, #tpu.memory_space<vmem_shared>> -> memref<640xf32, #tpu.memory_space<vmem_shared>>
      tpu.wait_dma2 semaphore(%run_scoped3A : memref<!tpu.dma_semaphore, #tpu.memory_space<semaphore_mem>>) src(%arg14 : memref<640xf32, #tpu.memory_space<vmem>>) dst(%dma_wait3A_55 : memref<640xf32, #tpu.memory_space<vmem_shared>>)
      tpu.yield
    }) : () -> ()
    %barrier3A = arith.constant 0 : index
    tpu.barrier barrier_id(%barrier3A)
    %mul3A_29 = arith.constant 20000 : i32
    %mul3A_30 = arith.muli %arg1, %mul3A_29 : i32
    %scan3A_31 = arith.constant 0 : i32
    %scan3A_32 = arith.constant 0 : i32
    %scan3A_33 = arith.constant 250 : i32
    %scan3A_34 = arith.addi %scan3A_32, %scan3A_33 : i32
    %scan3A_35 = arith.constant 1 : i32
    %scan3A_36 = scf.for %scan3A_54 = %scan3A_32 to %scan3A_34 step %scan3A_35 iter_args(%scan3A_55 = %scan3A_31) -> (i32)  : i32 {
      %mul3A_56 = arith.constant 80 : i32
      %mul3A_57 = arith.muli %scan3A_54, %mul3A_56 : i32
      %add3A = arith.addi %mul3A_30, %mul3A_57 : i32
      "tpu.region"() ({
        %run_scoped3A = tpu.sem_alloc : memref<!tpu.dma_semaphore, #tpu.memory_space<semaphore_mem>>
        %dma_start3A_76 = tpu.memref_slice %arg3[%add3A] : memref<320000xi32, #tpu.memory_space<hbm>> -> memref<80xi32, #tpu.memory_space<hbm>>
        %dma_start3A_77 = tpu.memref_slice %arg3[%add3A] : memref<320000xi32, #tpu.memory_space<hbm>> -> memref<80xi32, #tpu.memory_space<hbm>>
        tpu.enqueue_dma source(%dma_start3A_77 : memref<80xi32, #tpu.memory_space<hbm>>) target(%arg7 : memref<80xi32, #tpu.memory_space<vmem>>) target_semaphore(%run_scoped3A : memref<!tpu.dma_semaphore, #tpu.memory_space<semaphore_mem>>)
        %dma_wait3A_78 = tpu.memref_slice %arg3[%add3A] : memref<320000xi32, #tpu.memory_space<hbm>> -> memref<80xi32, #tpu.memory_space<hbm>>
        %dma_wait3A_79 = tpu.memref_slice %arg3[%add3A] : memref<320000xi32, #tpu.memory_space<hbm>> -> memref<80xi32, #tpu.memory_space<hbm>>
        tpu.wait_dma2 semaphore(%run_scoped3A : memref<!tpu.dma_semaphore, #tpu.memory_space<semaphore_mem>>) src(%dma_wait3A_79 : memref<80xi32, #tpu.memory_space<hbm>>) dst(%arg7 : memref<80xi32, #tpu.memory_space<vmem>>)
        tpu.yield
      }) : () -> ()
      "tpu.region"() ({
        %run_scoped3A = tpu.sem_alloc : memref<!tpu.dma_semaphore, #tpu.memory_space<semaphore_mem>>
        %dma_start3A_76 = tpu.memref_slice %arg4[%add3A] : memref<320000xi32, #tpu.memory_space<hbm>> -> memref<80xi32, #tpu.memory_space<hbm>>
        %dma_start3A_77 = tpu.memref_slice %arg4[%add3A] : memref<320000xi32, #tpu.memory_space<hbm>> -> memref<80xi32, #tpu.memory_space<hbm>>
        tpu.enqueue_dma source(%dma_start3A_77 : memref<80xi32, #tpu.memory_space<hbm>>) target(%arg8 : memref<80xi32, #tpu.memory_space<vmem>>) target_semaphore(%run_scoped3A : memref<!tpu.dma_semaphore, #tpu.memory_space<semaphore_mem>>)
        %dma_wait3A_78 = tpu.memref_slice %arg4[%add3A] : memref<320000xi32, #tpu.memory_space<hbm>> -> memref<80xi32, #tpu.memory_space<hbm>>
        %dma_wait3A_79 = tpu.memref_slice %arg4[%add3A] : memref<320000xi32, #tpu.memory_space<hbm>> -> memref<80xi32, #tpu.memory_space<hbm>>
        tpu.wait_dma2 semaphore(%run_scoped3A : memref<!tpu.dma_semaphore, #tpu.memory_space<semaphore_mem>>) src(%dma_wait3A_79 : memref<80xi32, #tpu.memory_space<hbm>>) dst(%arg8 : memref<80xi32, #tpu.memory_space<vmem>>)
        tpu.yield
      }) : () -> ()
      %dma_start3A = arith.constant 0 : i32
      %dma_start3A_58 = arith.constant 0 : i32
      %dma_start3A_59 = tpu.memref_slice %arg2[%arg0, %dma_start3A, %dma_start3A_58] : memref<2x10000x64xf32, #tpu.memory_space<hbm>> -> memref<1x10000x64xf32, #tpu.memory_space<hbm>>
      %dma_start3A_60 = tpu.memref_squeeze %dma_start3A_59 : memref<1x10000x64xf32, #tpu.memory_space<hbm>> -> memref<10000x64xf32, #tpu.memory_space<hbm>>
      %dma_start3A_61 = arith.constant 0 : i32
      %dma_start3A_62 = arith.constant 0 : i32
      %dma_start3A_63 = tpu.memref_slice %dma_start3A_60[%dma_start3A_61, %dma_start3A_62] : memref<10000x64xf32, #tpu.memory_space<hbm>> -> memref<10000x64xf32, #tpu.memory_space<hbm>>
      tpu.enqueue_indirect_dma source(%dma_start3A_63 : memref<10000x64xf32, #tpu.memory_space<hbm>>) target(%arg9 : memref<80x64xf32, #tpu.memory_space<vmem>>) offsets(%arg7 : memref<80xi32, #tpu.memory_space<vmem>>) semaphore(%arg12 : memref<!tpu.dma_semaphore, #tpu.memory_space<semaphore_mem>>)
      %dma_wait3A = arith.constant 0 : i32
      %dma_wait3A_64 = arith.constant 0 : i32
      %dma_wait3A_65 = tpu.memref_slice %arg2[%arg0, %dma_wait3A, %dma_wait3A_64] : memref<2x10000x64xf32, #tpu.memory_space<hbm>> -> memref<1x10000x64xf32, #tpu.memory_space<hbm>>
      %dma_wait3A_66 = tpu.memref_squeeze %dma_wait3A_65 : memref<1x10000x64xf32, #tpu.memory_space<hbm>> -> memref<10000x64xf32, #tpu.memory_space<hbm>>
      %dma_wait3A_67 = arith.constant 0 : i32
      %dma_wait3A_68 = arith.constant 0 : i32
      %dma_wait3A_69 = tpu.memref_slice %dma_wait3A_66[%dma_wait3A_67, %dma_wait3A_68] : memref<10000x64xf32, #tpu.memory_space<hbm>> -> memref<10000x64xf32, #tpu.memory_space<hbm>>
      tpu.wait_indirect_dma semaphore(%arg12 : memref<!tpu.dma_semaphore, #tpu.memory_space<semaphore_mem>>) src(%dma_wait3A_69 : memref<10000x64xf32, #tpu.memory_space<hbm>>) dst(%arg9 : memref<80x64xf32, #tpu.memory_space<vmem>>)
      "tpu.region"() ({
        %run_scoped3A = tpu.sem_alloc : memref<!tpu.dma_semaphore, #tpu.memory_space<semaphore_mem>>
        %dma_start3A_76 = arith.constant 0 : i32
        %dma_start3A_77 = arith.constant 0 : i32
        %dma_start3A_78 = tpu.memref_slice %arg11[%dma_start3A_76, %dma_start3A_77] : memref<10000x64xf32, #tpu.memory_space<vmem_shared>> -> memref<10000x64xf32, #tpu.memory_space<vmem_shared>>
        tpu.enqueue_indirect_dma source(%arg9 : memref<80x64xf32, #tpu.memory_space<vmem>>) target(%dma_start3A_78 : memref<10000x64xf32, #tpu.memory_space<vmem_shared>>) offsets(%arg8 : memref<80xi32, #tpu.memory_space<vmem>>) semaphore(%run_scoped3A : memref<!tpu.dma_semaphore, #tpu.memory_space<semaphore_mem>>) {add = true}
        %dma_wait3A_79 = arith.constant 0 : i32
        %dma_wait3A_80 = arith.constant 0 : i32
        %dma_wait3A_81 = tpu.memref_slice %arg11[%dma_wait3A_79, %dma_wait3A_80] : memref<10000x64xf32, #tpu.memory_space<vmem_shared>> -> memref<10000x64xf32, #tpu.memory_space<vmem_shared>>
        tpu.wait_indirect_dma semaphore(%run_scoped3A : memref<!tpu.dma_semaphore, #tpu.memory_space<semaphore_mem>>) src(%arg9 : memref<80x64xf32, #tpu.memory_space<vmem>>) dst(%dma_wait3A_81 : memref<10000x64xf32, #tpu.memory_space<vmem_shared>>)
        tpu.yield
      }) : () -> ()
      %eq3A_70 = arith.constant 0 : i32
      %eq3A_71 = arith.cmpi eq, %arg0, %eq3A_70 : i32
      %convert_element_type3A_72 = arith.extui %eq3A_71 : i1 to i32
      %cond3A_73 = arith.constant 0 : i32
      %cond3A_74 = arith.cmpi ne, %convert_element_type3A_72, %cond3A_73 : i32
      scf.if %cond3A_74 {
        "tpu.region"() ({
          %run_scoped3A = tpu.sem_alloc : memref<!tpu.dma_semaphore, #tpu.memory_space<semaphore_mem>>
          %dma_start3A_76 = arith.constant 0 : i32
          %dma_start3A_77 = tpu.memref_slice %arg15[%dma_start3A_76] : memref<10240xf32, #tpu.memory_space<vmem_shared>> -> memref<10240xf32, #tpu.memory_space<vmem_shared>>
          tpu.enqueue_indirect_dma source(%arg13 : memref<80xf32, #tpu.memory_space<vmem>>) target(%dma_start3A_77 : memref<10240xf32, #tpu.memory_space<vmem_shared>>) offsets(%arg8 : memref<80xi32, #tpu.memory_space<vmem>>) semaphore(%run_scoped3A : memref<!tpu.dma_semaphore, #tpu.memory_space<semaphore_mem>>) {add = true}
          %dma_wait3A_78 = arith.constant 0 : i32
          %dma_wait3A_79 = tpu.memref_slice %arg15[%dma_wait3A_78] : memref<10240xf32, #tpu.memory_space<vmem_shared>> -> memref<10240xf32, #tpu.memory_space<vmem_shared>>
          tpu.wait_indirect_dma semaphore(%run_scoped3A : memref<!tpu.dma_semaphore, #tpu.memory_space<semaphore_mem>>) src(%arg13 : memref<80xf32, #tpu.memory_space<vmem>>) dst(%dma_wait3A_79 : memref<10240xf32, #tpu.memory_space<vmem_shared>>)
          tpu.yield
        }) : () -> ()
      } else {
      }
      %scan3A_75 = arith.constant 0 : i32
      scf.yield %scan3A_75 : i32
    }
    %scan3A_37 = arith.constant 250 : i32
    %barrier3A_38 = arith.constant 0 : index
    tpu.barrier barrier_id(%barrier3A_38)
    %lt3A_39 = arith.constant 15 : i32
    %lt3A_40 = arith.cmpi slt, %arg1, %lt3A_39 : i32
    %convert_element_type3A_41 = arith.extui %lt3A_40 : i1 to i32
    %cond3A_42 = arith.constant 0 : i32
    %cond3A_43 = arith.cmpi ne, %convert_element_type3A_41, %cond3A_42 : i32
    scf.if %cond3A_43 {
      "tpu.region"() ({
        %run_scoped3A = tpu.sem_alloc : memref<!tpu.dma_semaphore, #tpu.memory_space<semaphore_mem>>
        %dma_start3A = arith.constant 0 : i32
        %dma_start3A_54 = tpu.memref_slice %arg5[%arg0, %mul3A_6, %dma_start3A] : memref<2x10000x64xf32, #tpu.memory_space<hbm>> -> memref<1x632x64xf32, #tpu.memory_space<hbm>>
        %dma_start3A_55 = tpu.memref_squeeze %dma_start3A_54 : memref<1x632x64xf32, #tpu.memory_space<hbm>> -> memref<632x64xf32, #tpu.memory_space<hbm>>
        %dma_start3A_56 = arith.constant 0 : i32
        %dma_start3A_57 = tpu.memref_slice %arg11[%mul3A_6, %dma_start3A_56] : memref<10000x64xf32, #tpu.memory_space<vmem_shared>> -> memref<632x64xf32, #tpu.memory_space<vmem_shared>>
        tpu.enqueue_dma source(%dma_start3A_57 : memref<632x64xf32, #tpu.memory_space<vmem_shared>>) target(%dma_start3A_55 : memref<632x64xf32, #tpu.memory_space<hbm>>) target_semaphore(%run_scoped3A : memref<!tpu.dma_semaphore, #tpu.memory_space<semaphore_mem>>)
        %dma_wait3A = arith.constant 0 : i32
        %dma_wait3A_58 = tpu.memref_slice %arg5[%arg0, %mul3A_6, %dma_wait3A] : memref<2x10000x64xf32, #tpu.memory_space<hbm>> -> memref<1x632x64xf32, #tpu.memory_space<hbm>>
        %dma_wait3A_59 = tpu.memref_squeeze %dma_wait3A_58 : memref<1x632x64xf32, #tpu.memory_space<hbm>> -> memref<632x64xf32, #tpu.memory_space<hbm>>
        %dma_wait3A_60 = arith.constant 0 : i32
        %dma_wait3A_61 = tpu.memref_slice %arg11[%mul3A_6, %dma_wait3A_60] : memref<10000x64xf32, #tpu.memory_space<vmem_shared>> -> memref<632x64xf32, #tpu.memory_space<vmem_shared>>
        tpu.wait_dma2 semaphore(%run_scoped3A : memref<!tpu.dma_semaphore, #tpu.memory_space<semaphore_mem>>) src(%dma_wait3A_61 : memref<632x64xf32, #tpu.memory_space<vmem_shared>>) dst(%dma_wait3A_59 : memref<632x64xf32, #tpu.memory_space<hbm>>)
        tpu.yield
      }) : () -> ()
    } else {
    }
    %eq3A_44 = arith.constant 15 : i32
    %eq3A_45 = arith.cmpi eq, %arg1, %eq3A_44 : i32
    %convert_element_type3A_46 = arith.extui %eq3A_45 : i1 to i32
    %cond3A_47 = arith.constant 0 : i32
    %cond3A_48 = arith.cmpi ne, %convert_element_type3A_46, %cond3A_47 : i32
    scf.if %cond3A_48 {
      "tpu.region"() ({
        %run_scoped3A = tpu.sem_alloc : memref<!tpu.dma_semaphore, #tpu.memory_space<semaphore_mem>>
        %dma_start3A = arith.constant 0 : i32
        %dma_start3A_54 = tpu.memref_slice %arg5[%arg0, %mul3A_6, %dma_start3A] : memref<2x10000x64xf32, #tpu.memory_space<hbm>> -> memref<1x520x64xf32, #tpu.memory_space<hbm>>
        %dma_start3A_55 = tpu.memref_squeeze %dma_start3A_54 : memref<1x520x64xf32, #tpu.memory_space<hbm>> -> memref<520x64xf32, #tpu.memory_space<hbm>>
        %dma_start3A_56 = arith.constant 0 : i32
        %dma_start3A_57 = tpu.memref_slice %arg11[%mul3A_6, %dma_start3A_56] : memref<10000x64xf32, #tpu.memory_space<vmem_shared>> -> memref<520x64xf32, #tpu.memory_space<vmem_shared>>
        tpu.enqueue_dma source(%dma_start3A_57 : memref<520x64xf32, #tpu.memory_space<vmem_shared>>) target(%dma_start3A_55 : memref<520x64xf32, #tpu.memory_space<hbm>>) target_semaphore(%run_scoped3A : memref<!tpu.dma_semaphore, #tpu.memory_space<semaphore_mem>>)
        %dma_wait3A = arith.constant 0 : i32
        %dma_wait3A_58 = tpu.memref_slice %arg5[%arg0, %mul3A_6, %dma_wait3A] : memref<2x10000x64xf32, #tpu.memory_space<hbm>> -> memref<1x520x64xf32, #tpu.memory_space<hbm>>
        %dma_wait3A_59 = tpu.memref_squeeze %dma_wait3A_58 : memref<1x520x64xf32, #tpu.memory_space<hbm>> -> memref<520x64xf32, #tpu.memory_space<hbm>>
        %dma_wait3A_60 = arith.constant 0 : i32
        %dma_wait3A_61 = tpu.memref_slice %arg11[%mul3A_6, %dma_wait3A_60] : memref<10000x64xf32, #tpu.memory_space<vmem_shared>> -> memref<520x64xf32, #tpu.memory_space<vmem_shared>>
        tpu.wait_dma2 semaphore(%run_scoped3A : memref<!tpu.dma_semaphore, #tpu.memory_space<semaphore_mem>>) src(%dma_wait3A_61 : memref<520x64xf32, #tpu.memory_space<vmem_shared>>) dst(%dma_wait3A_59 : memref<520x64xf32, #tpu.memory_space<hbm>>)
        tpu.yield
      }) : () -> ()
    } else {
    }
    %eq3A_49 = arith.constant 0 : i32
    %eq3A_50 = arith.cmpi eq, %arg0, %eq3A_49 : i32
    %convert_element_type3A_51 = arith.extui %eq3A_50 : i1 to i32
    %cond3A_52 = arith.constant 0 : i32
    %cond3A_53 = arith.cmpi ne, %convert_element_type3A_51, %cond3A_52 : i32
    scf.if %cond3A_53 {
      %mul3A_54 = arith.constant 640 : i32
      %mul3A_55 = arith.muli %arg1, %mul3A_54 : i32
      %mul3A_56 = arith.constant 640 : i32
      %mul3A_57 = arith.muli %arg1, %mul3A_56 : i32
      "tpu.region"() ({
        %run_scoped3A = tpu.sem_alloc : memref<!tpu.dma_semaphore, #tpu.memory_space<semaphore_mem>>
        %dma_start3A = tpu.memref_slice %arg6[%mul3A_57] : memref<10240xf32, #tpu.memory_space<hbm>> -> memref<640xf32, #tpu.memory_space<hbm>>
        %dma_start3A_58 = tpu.memref_slice %arg15[%mul3A_55] : memref<10240xf32, #tpu.memory_space<vmem_shared>> -> memref<640xf32, #tpu.memory_space<vmem_shared>>
        tpu.enqueue_dma source(%dma_start3A_58 : memref<640xf32, #tpu.memory_space<vmem_shared>>) target(%dma_start3A : memref<640xf32, #tpu.memory_space<hbm>>) target_semaphore(%run_scoped3A : memref<!tpu.dma_semaphore, #tpu.memory_space<semaphore_mem>>)
        %dma_wait3A = tpu.memref_slice %arg6[%mul3A_57] : memref<10240xf32, #tpu.memory_space<hbm>> -> memref<640xf32, #tpu.memory_space<hbm>>
        %dma_wait3A_59 = tpu.memref_slice %arg15[%mul3A_55] : memref<10240xf32, #tpu.memory_space<vmem_shared>> -> memref<640xf32, #tpu.memory_space<vmem_shared>>
        tpu.wait_dma2 semaphore(%run_scoped3A : memref<!tpu.dma_semaphore, #tpu.memory_space<semaphore_mem>>) src(%dma_wait3A_59 : memref<640xf32, #tpu.memory_space<vmem_shared>>) dst(%dma_wait3A : memref<640xf32, #tpu.memory_space<hbm>>)
        tpu.yield
      }) : () -> ()
    } else {
    }
    return
  }
}

#map = affine_map<(d0, d1) -> (0, 0, 0)>
#map1 = affine_map<(d0, d1) -> (0)>
module attributes {stable_mosaic.version = 14 : i64} {
  func.func @body(%arg0: i32, %arg1: i32, %arg2: memref<2x10000x64xf32, #tpu.memory_space<hbm>>, %arg3: memref<320000xi32, #tpu.memory_space<hbm>>, %arg4: memref<320000xi32, #tpu.memory_space<hbm>>, %arg5: memref<2x10000x64xf32, #tpu.memory_space<hbm>>, %arg6: memref<80xi32, #tpu.memory_space<vmem>>, %arg7: memref<80xi32, #tpu.memory_space<vmem>>, %arg8: memref<80x64xf32, #tpu.memory_space<vmem>>, %arg9: memref<632x64xf32, #tpu.memory_space<vmem>>, %arg10: memref<10000x64xf32, #tpu.memory_space<vmem_shared>>, %arg11: memref<!tpu.dma_semaphore, #tpu.memory_space<semaphore_mem>>) attributes {dimension_semantics = [#tpu.dimension_semantics<core_parallel>, #tpu.dimension_semantics<subcore_parallel>], iteration_bounds = array<i64: 2, 16>, scalar_prefetch = 0 : i64, scratch_operands = 6 : i64, tpu.core_type = #tpu.core_type<sc_vector_subcore>, window_params = [{transform_indices = #map}, {transform_indices = #map1}, {transform_indices = #map1}, {transform_indices = #map}]} {
    %scan3A = arith.constant 0 : i32
    %scan3A_0 = arith.constant 0 : i32
    %scan3A_1 = arith.constant 632 : i32
    %scan3A_2 = arith.addi %scan3A_0, %scan3A_1 : i32
    %scan3A_3 = arith.constant 1 : i32
    %scan3A_4 = scf.for %scan3A_33 = %scan3A_0 to %scan3A_2 step %scan3A_3 iter_args(%scan3A_34 = %scan3A) -> (i32)  : i32 {
      %broadcast_in_dim3A = arith.constant 0.000000e+00 : f32
      %broadcast_in_dim3A_35 = vector.broadcast %broadcast_in_dim3A : f32 to vector<16xf32>
      %swap3A = arith.index_cast %scan3A_33 : i32 to index
      %swap3A_36 = arith.constant 0 : index
      %swap3A_37 = tpu.vector_load %arg9[%swap3A, %swap3A_36] {strides = array<i32>} : memref<632x64xf32, #tpu.memory_space<vmem>>, vector<1x16xf32>,
      %swap3A_38 = vector.shape_cast %swap3A_37 : vector<1x16xf32> to vector<16xf32>
      %swap3A_39 = vector.shape_cast %broadcast_in_dim3A_35 : vector<16xf32> to vector<1x16xf32>
      tpu.vector_store %arg9[%swap3A, %swap3A_36], %swap3A_39 {strides = array<i32>} : memref<632x64xf32, #tpu.memory_space<vmem>>, vector<1x16xf32>,
      %broadcast_in_dim3A_40 = arith.constant 0.000000e+00 : f32
      %broadcast_in_dim3A_41 = vector.broadcast %broadcast_in_dim3A_40 : f32 to vector<16xf32>
      %swap3A_42 = arith.index_cast %scan3A_33 : i32 to index
      %swap3A_43 = arith.constant 16 : index
      %swap3A_44 = tpu.vector_load %arg9[%swap3A_42, %swap3A_43] {strides = array<i32>} : memref<632x64xf32, #tpu.memory_space<vmem>>, vector<1x16xf32>,
      %swap3A_45 = vector.shape_cast %swap3A_44 : vector<1x16xf32> to vector<16xf32>
      %swap3A_46 = vector.shape_cast %broadcast_in_dim3A_41 : vector<16xf32> to vector<1x16xf32>
      tpu.vector_store %arg9[%swap3A_42, %swap3A_43], %swap3A_46 {strides = array<i32>} : memref<632x64xf32, #tpu.memory_space<vmem>>, vector<1x16xf32>,
      %broadcast_in_dim3A_47 = arith.constant 0.000000e+00 : f32
      %broadcast_in_dim3A_48 = vector.broadcast %broadcast_in_dim3A_47 : f32 to vector<16xf32>
      %swap3A_49 = arith.index_cast %scan3A_33 : i32 to index
      %swap3A_50 = arith.constant 32 : index
      %swap3A_51 = tpu.vector_load %arg9[%swap3A_49, %swap3A_50] {strides = array<i32>} : memref<632x64xf32, #tpu.memory_space<vmem>>, vector<1x16xf32>,
      %swap3A_52 = vector.shape_cast %swap3A_51 : vector<1x16xf32> to vector<16xf32>
      %swap3A_53 = vector.shape_cast %broadcast_in_dim3A_48 : vector<16xf32> to vector<1x16xf32>
      tpu.vector_store %arg9[%swap3A_49, %swap3A_50], %swap3A_53 {strides = array<i32>} : memref<632x64xf32, #tpu.memory_space<vmem>>, vector<1x16xf32>,
      %broadcast_in_dim3A_54 = arith.constant 0.000000e+00 : f32
      %broadcast_in_dim3A_55 = vector.broadcast %broadcast_in_dim3A_54 : f32 to vector<16xf32>
      %swap3A_56 = arith.index_cast %scan3A_33 : i32 to index
      %swap3A_57 = arith.constant 48 : index
      %swap3A_58 = tpu.vector_load %arg9[%swap3A_56, %swap3A_57] {strides = array<i32>} : memref<632x64xf32, #tpu.memory_space<vmem>>, vector<1x16xf32>,
      %swap3A_59 = vector.shape_cast %swap3A_58 : vector<1x16xf32> to vector<16xf32>
      %swap3A_60 = vector.shape_cast %broadcast_in_dim3A_55 : vector<16xf32> to vector<1x16xf32>
      tpu.vector_store %arg9[%swap3A_56, %swap3A_57], %swap3A_60 {strides = array<i32>} : memref<632x64xf32, #tpu.memory_space<vmem>>, vector<1x16xf32>,
      %scan3A_61 = arith.constant 0 : i32
      scf.yield %scan3A_61 : i32
    }
    %scan3A_5 = arith.constant 632 : i32
    %mul3A = arith.constant 632 : i32
    %mul3A_6 = arith.muli %arg1, %mul3A : i32
    %lt3A = arith.constant 15 : i32
    %lt3A_7 = arith.cmpi slt, %arg1, %lt3A : i32
    %convert_element_type3A = arith.extui %lt3A_7 : i1 to i32
    %cond3A = arith.constant 0 : i32
    %cond3A_8 = arith.cmpi ne, %convert_element_type3A, %cond3A : i32
    scf.if %cond3A_8 {
      "tpu.region"() ({
        %run_scoped3A = tpu.sem_alloc : memref<!tpu.dma_semaphore, #tpu.memory_space<semaphore_mem>>
        %dma_start3A = arith.constant 0 : i32
        %dma_start3A_33 = tpu.memref_slice %arg10[%mul3A_6, %dma_start3A] : memref<10000x64xf32, #tpu.memory_space<vmem_shared>> -> memref<632x64xf32, #tpu.memory_space<vmem_shared>>
        %dma_start3A_34 = arith.constant 0 : i32
        %dma_start3A_35 = tpu.memref_slice %arg10[%mul3A_6, %dma_start3A_34] : memref<10000x64xf32, #tpu.memory_space<vmem_shared>> -> memref<632x64xf32, #tpu.memory_space<vmem_shared>>
        tpu.enqueue_dma source(%arg9 : memref<632x64xf32, #tpu.memory_space<vmem>>) target(%dma_start3A_35 : memref<632x64xf32, #tpu.memory_space<vmem_shared>>) target_semaphore(%run_scoped3A : memref<!tpu.dma_semaphore, #tpu.memory_space<semaphore_mem>>)
        %dma_wait3A = arith.constant 0 : i32
        %dma_wait3A_36 = tpu.memref_slice %arg10[%mul3A_6, %dma_wait3A] : memref<10000x64xf32, #tpu.memory_space<vmem_shared>> -> memref<632x64xf32, #tpu.memory_space<vmem_shared>>
        %dma_wait3A_37 = arith.constant 0 : i32
        %dma_wait3A_38 = tpu.memref_slice %arg10[%mul3A_6, %dma_wait3A_37] : memref<10000x64xf32, #tpu.memory_space<vmem_shared>> -> memref<632x64xf32, #tpu.memory_space<vmem_shared>>
        tpu.wait_dma2 semaphore(%run_scoped3A : memref<!tpu.dma_semaphore, #tpu.memory_space<semaphore_mem>>) src(%arg9 : memref<632x64xf32, #tpu.memory_space<vmem>>) dst(%dma_wait3A_38 : memref<632x64xf32, #tpu.memory_space<vmem_shared>>)
        tpu.yield
      }) : () -> ()
    } else {
    }
    %eq3A = arith.constant 15 : i32
    %eq3A_9 = arith.cmpi eq, %arg1, %eq3A : i32
    %convert_element_type3A_10 = arith.extui %eq3A_9 : i1 to i32
    %cond3A_11 = arith.constant 0 : i32
    %cond3A_12 = arith.cmpi ne, %convert_element_type3A_10, %cond3A_11 : i32
    scf.if %cond3A_12 {
      "tpu.region"() ({
        %run_scoped3A = tpu.sem_alloc : memref<!tpu.dma_semaphore, #tpu.memory_space<semaphore_mem>>
        %dma_start3A = arith.constant 0 : i32
        %dma_start3A_33 = arith.constant 0 : i32
        %dma_start3A_34 = tpu.memref_slice %arg9[%dma_start3A, %dma_start3A_33] : memref<632x64xf32, #tpu.memory_space<vmem>> -> memref<520x64xf32, #tpu.memory_space<vmem>>
        %dma_start3A_35 = arith.constant 0 : i32
        %dma_start3A_36 = tpu.memref_slice %arg10[%mul3A_6, %dma_start3A_35] : memref<10000x64xf32, #tpu.memory_space<vmem_shared>> -> memref<520x64xf32, #tpu.memory_space<vmem_shared>>
        %dma_start3A_37 = arith.constant 0 : i32
        %dma_start3A_38 = tpu.memref_slice %arg10[%mul3A_6, %dma_start3A_37] : memref<10000x64xf32, #tpu.memory_space<vmem_shared>> -> memref<520x64xf32, #tpu.memory_space<vmem_shared>>
        %dma_start3A_39 = arith.constant 0 : i32
        %dma_start3A_40 = arith.constant 0 : i32
        %dma_start3A_41 = tpu.memref_slice %arg9[%dma_start3A_39, %dma_start3A_40] : memref<632x64xf32, #tpu.memory_space<vmem>> -> memref<520x64xf32, #tpu.memory_space<vmem>>
        tpu.enqueue_dma source(%dma_start3A_41 : memref<520x64xf32, #tpu.memory_space<vmem>>) target(%dma_start3A_38 : memref<520x64xf32, #tpu.memory_space<vmem_shared>>) target_semaphore(%run_scoped3A : memref<!tpu.dma_semaphore, #tpu.memory_space<semaphore_mem>>)
        %dma_wait3A = arith.constant 0 : i32
        %dma_wait3A_42 = arith.constant 0 : i32
        %dma_wait3A_43 = tpu.memref_slice %arg9[%dma_wait3A, %dma_wait3A_42] : memref<632x64xf32, #tpu.memory_space<vmem>> -> memref<520x64xf32, #tpu.memory_space<vmem>>
        %dma_wait3A_44 = arith.constant 0 : i32
        %dma_wait3A_45 = tpu.memref_slice %arg10[%mul3A_6, %dma_wait3A_44] : memref<10000x64xf32, #tpu.memory_space<vmem_shared>> -> memref<520x64xf32, #tpu.memory_space<vmem_shared>>
        %dma_wait3A_46 = arith.constant 0 : i32
        %dma_wait3A_47 = tpu.memref_slice %arg10[%mul3A_6, %dma_wait3A_46] : memref<10000x64xf32, #tpu.memory_space<vmem_shared>> -> memref<520x64xf32, #tpu.memory_space<vmem_shared>>
        %dma_wait3A_48 = arith.constant 0 : i32
        %dma_wait3A_49 = arith.constant 0 : i32
        %dma_wait3A_50 = tpu.memref_slice %arg9[%dma_wait3A_48, %dma_wait3A_49] : memref<632x64xf32, #tpu.memory_space<vmem>> -> memref<520x64xf32, #tpu.memory_space<vmem>>
        tpu.wait_dma2 semaphore(%run_scoped3A : memref<!tpu.dma_semaphore, #tpu.memory_space<semaphore_mem>>) src(%dma_wait3A_50 : memref<520x64xf32, #tpu.memory_space<vmem>>) dst(%dma_wait3A_47 : memref<520x64xf32, #tpu.memory_space<vmem_shared>>)
        tpu.yield
      }) : () -> ()
    } else {
    }
    %barrier3A = arith.constant 0 : index
    tpu.barrier barrier_id(%barrier3A)
    %mul3A_13 = arith.constant 20000 : i32
    %mul3A_14 = arith.muli %arg1, %mul3A_13 : i32
    %scan3A_15 = arith.constant 0 : i32
    %scan3A_16 = arith.constant 0 : i32
    %scan3A_17 = arith.constant 250 : i32
    %scan3A_18 = arith.addi %scan3A_16, %scan3A_17 : i32
    %scan3A_19 = arith.constant 1 : i32
    %scan3A_20 = scf.for %scan3A_33 = %scan3A_16 to %scan3A_18 step %scan3A_19 iter_args(%scan3A_34 = %scan3A_15) -> (i32)  : i32 {
      %mul3A_35 = arith.constant 80 : i32
      %mul3A_36 = arith.muli %scan3A_33, %mul3A_35 : i32
      %add3A = arith.addi %mul3A_14, %mul3A_36 : i32
      "tpu.region"() ({
        %run_scoped3A = tpu.sem_alloc : memref<!tpu.dma_semaphore, #tpu.memory_space<semaphore_mem>>
        %dma_start3A_50 = tpu.memref_slice %arg3[%add3A] : memref<320000xi32, #tpu.memory_space<hbm>> -> memref<80xi32, #tpu.memory_space<hbm>>
        %dma_start3A_51 = tpu.memref_slice %arg3[%add3A] : memref<320000xi32, #tpu.memory_space<hbm>> -> memref<80xi32, #tpu.memory_space<hbm>>
        tpu.enqueue_dma source(%dma_start3A_51 : memref<80xi32, #tpu.memory_space<hbm>>) target(%arg6 : memref<80xi32, #tpu.memory_space<vmem>>) target_semaphore(%run_scoped3A : memref<!tpu.dma_semaphore, #tpu.memory_space<semaphore_mem>>)
        %dma_wait3A_52 = tpu.memref_slice %arg3[%add3A] : memref<320000xi32, #tpu.memory_space<hbm>> -> memref<80xi32, #tpu.memory_space<hbm>>
        %dma_wait3A_53 = tpu.memref_slice %arg3[%add3A] : memref<320000xi32, #tpu.memory_space<hbm>> -> memref<80xi32, #tpu.memory_space<hbm>>
        tpu.wait_dma2 semaphore(%run_scoped3A : memref<!tpu.dma_semaphore, #tpu.memory_space<semaphore_mem>>) src(%dma_wait3A_53 : memref<80xi32, #tpu.memory_space<hbm>>) dst(%arg6 : memref<80xi32, #tpu.memory_space<vmem>>)
        tpu.yield
      }) : () -> ()
      "tpu.region"() ({
        %run_scoped3A = tpu.sem_alloc : memref<!tpu.dma_semaphore, #tpu.memory_space<semaphore_mem>>
        %dma_start3A_50 = tpu.memref_slice %arg4[%add3A] : memref<320000xi32, #tpu.memory_space<hbm>> -> memref<80xi32, #tpu.memory_space<hbm>>
        %dma_start3A_51 = tpu.memref_slice %arg4[%add3A] : memref<320000xi32, #tpu.memory_space<hbm>> -> memref<80xi32, #tpu.memory_space<hbm>>
        tpu.enqueue_dma source(%dma_start3A_51 : memref<80xi32, #tpu.memory_space<hbm>>) target(%arg7 : memref<80xi32, #tpu.memory_space<vmem>>) target_semaphore(%run_scoped3A : memref<!tpu.dma_semaphore, #tpu.memory_space<semaphore_mem>>)
        %dma_wait3A_52 = tpu.memref_slice %arg4[%add3A] : memref<320000xi32, #tpu.memory_space<hbm>> -> memref<80xi32, #tpu.memory_space<hbm>>
        %dma_wait3A_53 = tpu.memref_slice %arg4[%add3A] : memref<320000xi32, #tpu.memory_space<hbm>> -> memref<80xi32, #tpu.memory_space<hbm>>
        tpu.wait_dma2 semaphore(%run_scoped3A : memref<!tpu.dma_semaphore, #tpu.memory_space<semaphore_mem>>) src(%dma_wait3A_53 : memref<80xi32, #tpu.memory_space<hbm>>) dst(%arg7 : memref<80xi32, #tpu.memory_space<vmem>>)
        tpu.yield
      }) : () -> ()
      %dma_start3A = arith.constant 0 : i32
      %dma_start3A_37 = arith.constant 0 : i32
      %dma_start3A_38 = tpu.memref_slice %arg2[%arg0, %dma_start3A, %dma_start3A_37] : memref<2x10000x64xf32, #tpu.memory_space<hbm>> -> memref<1x10000x64xf32, #tpu.memory_space<hbm>>
      %dma_start3A_39 = tpu.memref_squeeze %dma_start3A_38 : memref<1x10000x64xf32, #tpu.memory_space<hbm>> -> memref<10000x64xf32, #tpu.memory_space<hbm>>
      %dma_start3A_40 = arith.constant 0 : i32
      %dma_start3A_41 = arith.constant 0 : i32
      %dma_start3A_42 = tpu.memref_slice %dma_start3A_39[%dma_start3A_40, %dma_start3A_41] : memref<10000x64xf32, #tpu.memory_space<hbm>> -> memref<10000x64xf32, #tpu.memory_space<hbm>>
      tpu.enqueue_indirect_dma source(%dma_start3A_42 : memref<10000x64xf32, #tpu.memory_space<hbm>>) target(%arg8 : memref<80x64xf32, #tpu.memory_space<vmem>>) offsets(%arg6 : memref<80xi32, #tpu.memory_space<vmem>>) semaphore(%arg11 : memref<!tpu.dma_semaphore, #tpu.memory_space<semaphore_mem>>)
      %dma_wait3A = arith.constant 0 : i32
      %dma_wait3A_43 = arith.constant 0 : i32
      %dma_wait3A_44 = tpu.memref_slice %arg2[%arg0, %dma_wait3A, %dma_wait3A_43] : memref<2x10000x64xf32, #tpu.memory_space<hbm>> -> memref<1x10000x64xf32, #tpu.memory_space<hbm>>
      %dma_wait3A_45 = tpu.memref_squeeze %dma_wait3A_44 : memref<1x10000x64xf32, #tpu.memory_space<hbm>> -> memref<10000x64xf32, #tpu.memory_space<hbm>>
      %dma_wait3A_46 = arith.constant 0 : i32
      %dma_wait3A_47 = arith.constant 0 : i32
      %dma_wait3A_48 = tpu.memref_slice %dma_wait3A_45[%dma_wait3A_46, %dma_wait3A_47] : memref<10000x64xf32, #tpu.memory_space<hbm>> -> memref<10000x64xf32, #tpu.memory_space<hbm>>
      tpu.wait_indirect_dma semaphore(%arg11 : memref<!tpu.dma_semaphore, #tpu.memory_space<semaphore_mem>>) src(%dma_wait3A_48 : memref<10000x64xf32, #tpu.memory_space<hbm>>) dst(%arg8 : memref<80x64xf32, #tpu.memory_space<vmem>>)
      "tpu.region"() ({
        %run_scoped3A = tpu.sem_alloc : memref<!tpu.dma_semaphore, #tpu.memory_space<semaphore_mem>>
        %dma_start3A_50 = arith.constant 0 : i32
        %dma_start3A_51 = arith.constant 0 : i32
        %dma_start3A_52 = tpu.memref_slice %arg10[%dma_start3A_50, %dma_start3A_51] : memref<10000x64xf32, #tpu.memory_space<vmem_shared>> -> memref<10000x64xf32, #tpu.memory_space<vmem_shared>>
        tpu.enqueue_indirect_dma source(%arg8 : memref<80x64xf32, #tpu.memory_space<vmem>>) target(%dma_start3A_52 : memref<10000x64xf32, #tpu.memory_space<vmem_shared>>) offsets(%arg7 : memref<80xi32, #tpu.memory_space<vmem>>) semaphore(%run_scoped3A : memref<!tpu.dma_semaphore, #tpu.memory_space<semaphore_mem>>) {add = true}
        %dma_wait3A_53 = arith.constant 0 : i32
        %dma_wait3A_54 = arith.constant 0 : i32
        %dma_wait3A_55 = tpu.memref_slice %arg10[%dma_wait3A_53, %dma_wait3A_54] : memref<10000x64xf32, #tpu.memory_space<vmem_shared>> -> memref<10000x64xf32, #tpu.memory_space<vmem_shared>>
        tpu.wait_indirect_dma semaphore(%run_scoped3A : memref<!tpu.dma_semaphore, #tpu.memory_space<semaphore_mem>>) src(%arg8 : memref<80x64xf32, #tpu.memory_space<vmem>>) dst(%dma_wait3A_55 : memref<10000x64xf32, #tpu.memory_space<vmem_shared>>)
        tpu.yield
      }) : () -> ()
      %scan3A_49 = arith.constant 0 : i32
      scf.yield %scan3A_49 : i32
    }
    %scan3A_21 = arith.constant 250 : i32
    %barrier3A_22 = arith.constant 0 : index
    tpu.barrier barrier_id(%barrier3A_22)
    %lt3A_23 = arith.constant 15 : i32
    %lt3A_24 = arith.cmpi slt, %arg1, %lt3A_23 : i32
    %convert_element_type3A_25 = arith.extui %lt3A_24 : i1 to i32
    %cond3A_26 = arith.constant 0 : i32
    %cond3A_27 = arith.cmpi ne, %convert_element_type3A_25, %cond3A_26 : i32
    scf.if %cond3A_27 {
      "tpu.region"() ({
        %run_scoped3A = tpu.sem_alloc : memref<!tpu.dma_semaphore, #tpu.memory_space<semaphore_mem>>
        %dma_start3A = arith.constant 0 : i32
        %dma_start3A_33 = tpu.memref_slice %arg5[%arg0, %mul3A_6, %dma_start3A] : memref<2x10000x64xf32, #tpu.memory_space<hbm>> -> memref<1x632x64xf32, #tpu.memory_space<hbm>>
        %dma_start3A_34 = tpu.memref_squeeze %dma_start3A_33 : memref<1x632x64xf32, #tpu.memory_space<hbm>> -> memref<632x64xf32, #tpu.memory_space<hbm>>
        %dma_start3A_35 = arith.constant 0 : i32
        %dma_start3A_36 = tpu.memref_slice %arg10[%mul3A_6, %dma_start3A_35] : memref<10000x64xf32, #tpu.memory_space<vmem_shared>> -> memref<632x64xf32, #tpu.memory_space<vmem_shared>>
        tpu.enqueue_dma source(%dma_start3A_36 : memref<632x64xf32, #tpu.memory_space<vmem_shared>>) target(%dma_start3A_34 : memref<632x64xf32, #tpu.memory_space<hbm>>) target_semaphore(%run_scoped3A : memref<!tpu.dma_semaphore, #tpu.memory_space<semaphore_mem>>)
        %dma_wait3A = arith.constant 0 : i32
        %dma_wait3A_37 = tpu.memref_slice %arg5[%arg0, %mul3A_6, %dma_wait3A] : memref<2x10000x64xf32, #tpu.memory_space<hbm>> -> memref<1x632x64xf32, #tpu.memory_space<hbm>>
        %dma_wait3A_38 = tpu.memref_squeeze %dma_wait3A_37 : memref<1x632x64xf32, #tpu.memory_space<hbm>> -> memref<632x64xf32, #tpu.memory_space<hbm>>
        %dma_wait3A_39 = arith.constant 0 : i32
        %dma_wait3A_40 = tpu.memref_slice %arg10[%mul3A_6, %dma_wait3A_39] : memref<10000x64xf32, #tpu.memory_space<vmem_shared>> -> memref<632x64xf32, #tpu.memory_space<vmem_shared>>
        tpu.wait_dma2 semaphore(%run_scoped3A : memref<!tpu.dma_semaphore, #tpu.memory_space<semaphore_mem>>) src(%dma_wait3A_40 : memref<632x64xf32, #tpu.memory_space<vmem_shared>>) dst(%dma_wait3A_38 : memref<632x64xf32, #tpu.memory_space<hbm>>)
        tpu.yield
      }) : () -> ()
    } else {
    }
    %eq3A_28 = arith.constant 15 : i32
    %eq3A_29 = arith.cmpi eq, %arg1, %eq3A_28 : i32
    %convert_element_type3A_30 = arith.extui %eq3A_29 : i1 to i32
    %cond3A_31 = arith.constant 0 : i32
    %cond3A_32 = arith.cmpi ne, %convert_element_type3A_30, %cond3A_31 : i32
    scf.if %cond3A_32 {
      "tpu.region"() ({
        %run_scoped3A = tpu.sem_alloc : memref<!tpu.dma_semaphore, #tpu.memory_space<semaphore_mem>>
        %dma_start3A = arith.constant 0 : i32
        %dma_start3A_33 = tpu.memref_slice %arg5[%arg0, %mul3A_6, %dma_start3A] : memref<2x10000x64xf32, #tpu.memory_space<hbm>> -> memref<1x520x64xf32, #tpu.memory_space<hbm>>
        %dma_start3A_34 = tpu.memref_squeeze %dma_start3A_33 : memref<1x520x64xf32, #tpu.memory_space<hbm>> -> memref<520x64xf32, #tpu.memory_space<hbm>>
        %dma_start3A_35 = arith.constant 0 : i32
        %dma_start3A_36 = tpu.memref_slice %arg10[%mul3A_6, %dma_start3A_35] : memref<10000x64xf32, #tpu.memory_space<vmem_shared>> -> memref<520x64xf32, #tpu.memory_space<vmem_shared>>
        tpu.enqueue_dma source(%dma_start3A_36 : memref<520x64xf32, #tpu.memory_space<vmem_shared>>) target(%dma_start3A_34 : memref<520x64xf32, #tpu.memory_space<hbm>>) target_semaphore(%run_scoped3A : memref<!tpu.dma_semaphore, #tpu.memory_space<semaphore_mem>>)
        %dma_wait3A = arith.constant 0 : i32
        %dma_wait3A_37 = tpu.memref_slice %arg5[%arg0, %mul3A_6, %dma_wait3A] : memref<2x10000x64xf32, #tpu.memory_space<hbm>> -> memref<1x520x64xf32, #tpu.memory_space<hbm>>
        %dma_wait3A_38 = tpu.memref_squeeze %dma_wait3A_37 : memref<1x520x64xf32, #tpu.memory_space<hbm>> -> memref<520x64xf32, #tpu.memory_space<hbm>>
        %dma_wait3A_39 = arith.constant 0 : i32
        %dma_wait3A_40 = tpu.memref_slice %arg10[%mul3A_6, %dma_wait3A_39] : memref<10000x64xf32, #tpu.memory_space<vmem_shared>> -> memref<520x64xf32, #tpu.memory_space<vmem_shared>>
        tpu.wait_dma2 semaphore(%run_scoped3A : memref<!tpu.dma_semaphore, #tpu.memory_space<semaphore_mem>>) src(%dma_wait3A_40 : memref<520x64xf32, #tpu.memory_space<vmem_shared>>) dst(%dma_wait3A_38 : memref<520x64xf32, #tpu.memory_space<hbm>>)
        tpu.yield
      }) : () -> ()
    } else {
    }
    return
  }
}

module attributes {stable_mosaic.version = 14 : i64} {
  func.func @body(%arg0: i32, %arg1: memref<2x1000x64xf32, #tpu.memory_space<vmem>>, %arg2: memref<1x1x1000xf32, #tpu.memory_space<vmem>>, %arg3: memref<1000x128xf32, #tpu.memory_space<vmem>>, %arg4: memref<128x128xf32, #tpu.memory_space<vmem>>, %arg5: memref<1x128xf32, #tpu.memory_space<vmem>>, %arg6: memref<128x128xf32, #tpu.memory_space<vmem>>, %arg7: memref<1000x128xf32, #tpu.memory_space<vmem>>) attributes {dimension_semantics = [#tpu.dimension_semantics<arbitrary>], iteration_bounds = array<i64: 10>, scalar_prefetch = 0 : i64, scratch_operands = 0 : i64, tpu.core_type = #tpu.core_type<tc>, window_params = [{transform_indices = @transform_0, window_bounds = array<i64: 2, 1000, 64>}, {transform_indices = @transform_1, window_bounds = array<i64: 1, 1, 1000>}, {transform_indices = @transform_2, window_bounds = array<i64: 1000, 128>}, {pipeline_mode = #tpu.pipeline_mode<synchronous>, transform_indices = @transform_3, window_bounds = array<i64: 128, 128>}, {pipeline_mode = #tpu.pipeline_mode<synchronous>, transform_indices = @transform_4, window_bounds = array<i64: 1, 128>}, {pipeline_mode = #tpu.pipeline_mode<synchronous>, transform_indices = @transform_5, window_bounds = array<i64: 128, 128>}, {transform_indices = @transform_6, window_bounds = array<i64: 1000, 128>}]} {
    %get3A = arith.constant 0 : index
    %get3A_0 = arith.constant 0 : index
    %get3A_1 = arith.constant 0 : index
    %get3A_2 = vector.load %arg1[%get3A, %get3A_0, %get3A_1] : memref<2x1000x64xf32, #tpu.memory_space<vmem>>, vector<1x1000x64xf32>
    %get3A_3 = vector.shape_cast %get3A_2 : vector<1x1000x64xf32> to vector<1000x64xf32>
    %get3A_4 = arith.constant 1 : index
    %get3A_5 = arith.constant 0 : index
    %get3A_6 = arith.constant 0 : index
    %get3A_7 = vector.load %arg1[%get3A_4, %get3A_5, %get3A_6] : memref<2x1000x64xf32, #tpu.memory_space<vmem>>, vector<1x1000x64xf32>
    %get3A_8 = vector.shape_cast %get3A_7 : vector<1x1000x64xf32> to vector<1000x64xf32>
    %concatenate3A = tpu.concatenate %get3A_3, %get3A_8 in 1 : vector<1000x64xf32>, vector<1000x64xf32> -> vector<1000x128xf32>
    %get3A_9 = arith.constant 0 : index
    %get3A_10 = arith.constant 0 : index
    %get3A_11 = arith.constant 0 : index
    %get3A_12 = vector.load %arg2[%get3A_9, %get3A_10, %get3A_11] : memref<1x1x1000xf32, #tpu.memory_space<vmem>>, vector<1x1x1000xf32>
    %get3A_13 = vector.shape_cast %get3A_12 : vector<1x1x1000xf32> to vector<1000xf32>
    %max3A = arith.constant 1.000000e+00 : f32
    %max3A_14 = vector.broadcast %max3A : f32 to vector<1000xf32>
    %max3A_15 = arith.maximumf %get3A_13, %max3A_14 : vector<1000xf32>
    %broadcast_in_dim3A = vector.shape_cast %max3A_15 : vector<1000xf32> to vector<1000x1xf32>
    %div3A = vector.broadcast %broadcast_in_dim3A : vector<1000x1xf32> to vector<1000x128xf32>
    %div3A_16 = arith.divf %concatenate3A, %div3A : vector<1000x128xf32>
    %get3A_17 = arith.constant 0 : index
    %get3A_18 = arith.constant 0 : index
    %get3A_19 = vector.load %arg4[%get3A_17, %get3A_18] : memref<128x128xf32, #tpu.memory_space<vmem>>, vector<128x128xf32>
    %dot_general3A = arith.constant dense<0.000000e+00> : vector<1000x128xf32>
    %dot_general3A_20 = tpu.matmul %div3A_16, %get3A_19, %dot_general3A {dimension_numbers = #tpu.dot_dimension_numbers<[1], [0], [0], [1], [0, 0, 1, 1], [], []>, transpose_lhs_hint = false} : vector<1000x128xf32>, vector<128x128xf32>, vector<1000x128xf32> -> vector<1000x128xf32>
    %get3A_21 = arith.constant 0 : index
    %get3A_22 = arith.constant 0 : index
    %get3A_23 = vector.load %arg5[%get3A_21, %get3A_22] : memref<1x128xf32, #tpu.memory_space<vmem>>, vector<1x128xf32>
    %add3A = vector.broadcast %get3A_23 : vector<1x128xf32> to vector<1000x128xf32>
    %add3A_24 = arith.addf %dot_general3A_20, %add3A : vector<1000x128xf32>
    %get3A_25 = arith.constant 0 : index
    %get3A_26 = arith.constant 0 : index
    %get3A_27 = vector.load %arg3[%get3A_25, %get3A_26] : memref<1000x128xf32, #tpu.memory_space<vmem>>, vector<1000x128xf32>
    %get3A_28 = arith.constant 0 : index
    %get3A_29 = arith.constant 0 : index
    %get3A_30 = vector.load %arg6[%get3A_28, %get3A_29] : memref<128x128xf32, #tpu.memory_space<vmem>>, vector<128x128xf32>
    %dot_general3A_31 = arith.constant dense<0.000000e+00> : vector<1000x128xf32>
    %dot_general3A_32 = tpu.matmul %get3A_27, %get3A_30, %dot_general3A_31 {dimension_numbers = #tpu.dot_dimension_numbers<[1], [0], [0], [1], [0, 0, 1, 1], [], []>, transpose_lhs_hint = false} : vector<1000x128xf32>, vector<128x128xf32>, vector<1000x128xf32> -> vector<1000x128xf32>
    %add3A_33 = arith.addf %add3A_24, %dot_general3A_32 : vector<1000x128xf32>
    %max3A_34 = arith.constant 0.000000e+00 : f32
    %max3A_35 = vector.broadcast %max3A_34 : f32 to vector<1000x128xf32>
    %max3A_36 = arith.maximumf %add3A_33, %max3A_35 : vector<1000x128xf32>
    %swap3A = arith.constant 0 : index
    %swap3A_37 = arith.constant 0 : index
    %swap3A_38 = vector.load %arg7[%swap3A, %swap3A_37] : memref<1000x128xf32, #tpu.memory_space<vmem>>, vector<1000x128xf32>
    tpu.vector_store %arg7[%swap3A, %swap3A_37], %max3A_36 {strides = array<i32>} : memref<1000x128xf32, #tpu.memory_space<vmem>>, vector<1000x128xf32>,
    return
  }
  func.func @transform_0(%arg0: i32) -> (i32, i32, i32) {
    %c0_i32 = arith.constant 0 : i32
    %c0_i32_0 = arith.constant 0 : i32
    %c0_i32_1 = arith.constant 0 : i32
    return %c0_i32, %arg0, %c0_i32_0 : i32, i32, i32
  }
  func.func @transform_1(%arg0: i32) -> (i32, i32, i32) {
    %c0_i32 = arith.constant 0 : i32
    %c0_i32_0 = arith.constant 0 : i32
    %c0_i32_1 = arith.constant 0 : i32
    return %arg0, %c0_i32, %c0_i32_0 : i32, i32, i32
  }
  func.func @transform_2(%arg0: i32) -> (i32, i32) {
    %c0_i32 = arith.constant 0 : i32
    %c0_i32_0 = arith.constant 0 : i32
    return %arg0, %c0_i32 : i32, i32
  }
  func.func @transform_3(%arg0: i32) -> (i32, i32) {
    %c0_i32 = arith.constant 0 : i32
    %c0_i32_0 = arith.constant 0 : i32
    %c0_i32_1 = arith.constant 0 : i32
    return %c0_i32, %c0_i32_0 : i32, i32
  }
  func.func @transform_4(%arg0: i32) -> (i32, i32) {
    %c0_i32 = arith.constant 0 : i32
    %c0_i32_0 = arith.constant 0 : i32
    %c0_i32_1 = arith.constant 0 : i32
    return %c0_i32, %c0_i32_0 : i32, i32
  }
  func.func @transform_5(%arg0: i32) -> (i32, i32) {
    %c0_i32 = arith.constant 0 : i32
    %c0_i32_0 = arith.constant 0 : i32
    %c0_i32_1 = arith.constant 0 : i32
    return %c0_i32, %c0_i32_0 : i32, i32
  }
  func.func @transform_6(%arg0: i32) -> (i32, i32) {
    %c0_i32 = arith.constant 0 : i32
    %c0_i32_0 = arith.constant 0 : i32
    return %arg0, %c0_i32 : i32, i32
  }
}

module attributes {stable_mosaic.version = 14 : i64} {
  func.func @body(%arg0: i32, %arg1: memref<2x1000x64xf32, #tpu.memory_space<vmem>>, %arg2: memref<1x1x1000xf32, #tpu.memory_space<vmem>>, %arg3: memref<1000x128xf32, #tpu.memory_space<vmem>>, %arg4: memref<128x128xf32, #tpu.memory_space<vmem>>, %arg5: memref<1x128xf32, #tpu.memory_space<vmem>>, %arg6: memref<128x128xf32, #tpu.memory_space<vmem>>, %arg7: memref<1000x128xf32, #tpu.memory_space<vmem>>) attributes {dimension_semantics = [#tpu.dimension_semantics<arbitrary>], iteration_bounds = array<i64: 10>, scalar_prefetch = 0 : i64, scratch_operands = 0 : i64, tpu.core_type = #tpu.core_type<tc>, window_params = [{transform_indices = @transform_0, window_bounds = array<i64: 2, 1000, 64>}, {transform_indices = @transform_1, window_bounds = array<i64: 1, 1, 1000>}, {transform_indices = @transform_2, window_bounds = array<i64: 1000, 128>}, {pipeline_mode = #tpu.pipeline_mode<synchronous>, transform_indices = @transform_3, window_bounds = array<i64: 128, 128>}, {pipeline_mode = #tpu.pipeline_mode<synchronous>, transform_indices = @transform_4, window_bounds = array<i64: 1, 128>}, {pipeline_mode = #tpu.pipeline_mode<synchronous>, transform_indices = @transform_5, window_bounds = array<i64: 128, 128>}, {transform_indices = @transform_6, window_bounds = array<i64: 1000, 128>}]} {
    %get3A = arith.constant 0 : index
    %get3A_0 = arith.constant 0 : index
    %get3A_1 = arith.constant 0 : index
    %get3A_2 = vector.load %arg1[%get3A, %get3A_0, %get3A_1] : memref<2x1000x64xf32, #tpu.memory_space<vmem>>, vector<1x1000x64xf32>
    %get3A_3 = vector.shape_cast %get3A_2 : vector<1x1000x64xf32> to vector<1000x64xf32>
    %get3A_4 = arith.constant 1 : index
    %get3A_5 = arith.constant 0 : index
    %get3A_6 = arith.constant 0 : index
    %get3A_7 = vector.load %arg1[%get3A_4, %get3A_5, %get3A_6] : memref<2x1000x64xf32, #tpu.memory_space<vmem>>, vector<1x1000x64xf32>
    %get3A_8 = vector.shape_cast %get3A_7 : vector<1x1000x64xf32> to vector<1000x64xf32>
    %concatenate3A = tpu.concatenate %get3A_3, %get3A_8 in 1 : vector<1000x64xf32>, vector<1000x64xf32> -> vector<1000x128xf32>
    %get3A_9 = arith.constant 0 : index
    %get3A_10 = arith.constant 0 : index
    %get3A_11 = arith.constant 0 : index
    %get3A_12 = vector.load %arg2[%get3A_9, %get3A_10, %get3A_11] : memref<1x1x1000xf32, #tpu.memory_space<vmem>>, vector<1x1x1000xf32>
    %get3A_13 = vector.shape_cast %get3A_12 : vector<1x1x1000xf32> to vector<1000xf32>
    %max3A = arith.constant 1.000000e+00 : f32
    %max3A_14 = vector.broadcast %max3A : f32 to vector<1000xf32>
    %max3A_15 = arith.maximumf %get3A_13, %max3A_14 : vector<1000xf32>
    %broadcast_in_dim3A = vector.shape_cast %max3A_15 : vector<1000xf32> to vector<1000x1xf32>
    %div3A = vector.broadcast %broadcast_in_dim3A : vector<1000x1xf32> to vector<1000x128xf32>
    %div3A_16 = arith.divf %concatenate3A, %div3A : vector<1000x128xf32>
    %get3A_17 = arith.constant 0 : index
    %get3A_18 = arith.constant 0 : index
    %get3A_19 = vector.load %arg4[%get3A_17, %get3A_18] : memref<128x128xf32, #tpu.memory_space<vmem>>, vector<128x128xf32>
    %dot_general3A = arith.constant dense<0.000000e+00> : vector<1000x128xf32>
    %dot_general3A_20 = tpu.matmul %div3A_16, %get3A_19, %dot_general3A {dimension_numbers = #tpu.dot_dimension_numbers<[1], [0], [0], [1], [0, 0, 1, 1], [], []>, transpose_lhs_hint = false} : vector<1000x128xf32>, vector<128x128xf32>, vector<1000x128xf32> -> vector<1000x128xf32>
    %get3A_21 = arith.constant 0 : index
    %get3A_22 = arith.constant 0 : index
    %get3A_23 = vector.load %arg5[%get3A_21, %get3A_22] : memref<1x128xf32, #tpu.memory_space<vmem>>, vector<1x128xf32>
    %add3A = vector.broadcast %get3A_23 : vector<1x128xf32> to vector<1000x128xf32>
    %add3A_24 = arith.addf %dot_general3A_20, %add3A : vector<1000x128xf32>
    %get3A_25 = arith.constant 0 : index
    %get3A_26 = arith.constant 0 : index
    %get3A_27 = vector.load %arg3[%get3A_25, %get3A_26] : memref<1000x128xf32, #tpu.memory_space<vmem>>, vector<1000x128xf32>
    %get3A_28 = arith.constant 0 : index
    %get3A_29 = arith.constant 0 : index
    %get3A_30 = vector.load %arg6[%get3A_28, %get3A_29] : memref<128x128xf32, #tpu.memory_space<vmem>>, vector<128x128xf32>
    %dot_general3A_31 = arith.constant dense<0.000000e+00> : vector<1000x128xf32>
    %dot_general3A_32 = tpu.matmul %get3A_27, %get3A_30, %dot_general3A_31 {dimension_numbers = #tpu.dot_dimension_numbers<[1], [0], [0], [1], [0, 0, 1, 1], [], []>, transpose_lhs_hint = false} : vector<1000x128xf32>, vector<128x128xf32>, vector<1000x128xf32> -> vector<1000x128xf32>
    %add3A_33 = arith.addf %add3A_24, %dot_general3A_32 : vector<1000x128xf32>
    %swap3A = arith.constant 0 : index
    %swap3A_34 = arith.constant 0 : index
    %swap3A_35 = vector.load %arg7[%swap3A, %swap3A_34] : memref<1000x128xf32, #tpu.memory_space<vmem>>, vector<1000x128xf32>
    tpu.vector_store %arg7[%swap3A, %swap3A_34], %add3A_33 {strides = array<i32>} : memref<1000x128xf32, #tpu.memory_space<vmem>>, vector<1000x128xf32>,
    return
  }
  func.func @transform_0(%arg0: i32) -> (i32, i32, i32) {
    %c0_i32 = arith.constant 0 : i32
    %c0_i32_0 = arith.constant 0 : i32
    %c0_i32_1 = arith.constant 0 : i32
    return %c0_i32, %arg0, %c0_i32_0 : i32, i32, i32
  }
  func.func @transform_1(%arg0: i32) -> (i32, i32, i32) {
    %c0_i32 = arith.constant 0 : i32
    %c0_i32_0 = arith.constant 0 : i32
    %c0_i32_1 = arith.constant 0 : i32
    return %arg0, %c0_i32, %c0_i32_0 : i32, i32, i32
  }
  func.func @transform_2(%arg0: i32) -> (i32, i32) {
    %c0_i32 = arith.constant 0 : i32
    %c0_i32_0 = arith.constant 0 : i32
    return %arg0, %c0_i32 : i32, i32
  }
  func.func @transform_3(%arg0: i32) -> (i32, i32) {
    %c0_i32 = arith.constant 0 : i32
    %c0_i32_0 = arith.constant 0 : i32
    %c0_i32_1 = arith.constant 0 : i32
    return %c0_i32, %c0_i32_0 : i32, i32
  }
  func.func @transform_4(%arg0: i32) -> (i32, i32) {
    %c0_i32 = arith.constant 0 : i32
    %c0_i32_0 = arith.constant 0 : i32
    %c0_i32_1 = arith.constant 0 : i32
    return %c0_i32, %c0_i32_0 : i32, i32
  }
  func.func @transform_5(%arg0: i32) -> (i32, i32) {
    %c0_i32 = arith.constant 0 : i32
    %c0_i32_0 = arith.constant 0 : i32
    %c0_i32_1 = arith.constant 0 : i32
    return %c0_i32, %c0_i32_0 : i32, i32
  }
  func.func @transform_6(%arg0: i32) -> (i32, i32) {
    %c0_i32 = arith.constant 0 : i32
    %c0_i32_0 = arith.constant 0 : i32
    return %arg0, %c0_i32 : i32, i32
  }
}

</mosaic_0001>

<sc_bundles>
// kernel: kernel.6.cloned.1.call-start
scs
__scs_entry_jumppad:
0x0: {  	(pc) =	sbr.rel $0x88, $3  }
0x1: {  	(tag) =	ssettag $0x0;
	lr =	simm.s32 $0x1  }
0x2: {  	[smem:$0x3F99] =	sst lr;
	_ =	strace $0xD0000000  }
0x3: {  	_ = 	snop  }
0x4: {  	_ = 	snop  }
0x5: {  	_ = 	snop  }
0x6: {  	_ = 	snop  }
0x7: {  	_ = 	snop  }
__scs_overlays_trampoline_lowered:
0x8: {  	[smem:$0x3FA8] =	sst s0  }
0x9: {  	[smem:$0x3FA9] =	sst s1  }
0xa: {  	[smem:$0x3FAA] =	sst s2  }
0xb: {  	[smem:$0x3FAB] =	sst s3  }
0xc: {  	[smem:$0x3FAC] =	sst s4  }
0xd: {  	[smem:$0x3FAD] =	sst s5  }
0xe: {  	[smem:$0x3FAE] =	sst s6  }
0xf: {  	[smem:$0x3FAF] =	sst s7  }
0x10: {  	[smem:$0x3FB0] =	sst s8  }
0x11: {  	[smem:$0x3FB1] =	sst s9;
	s0 =	simm.s32 @!p0 $0x0  }
0x12: {  	s1 =	sld [smem:$0x3F97];
	s0 =	simm.s32 @p0 $0x1  }
0x13: {  	[smem:$0x3FB2] =	sst s0;
	s0 =	simm.s32 @!p1 $0x0  }
0x14: {  	s2 =	sld [smem:$0x3F96];
	s0 =	simm.s32 @p1 $0x1  }
0x15: {  	[smem:$0x3FB3] =	sst s0;
	s0 =	simm.s32 @!p2 $0x0  }
0x16: {  	s3 =	sld [smem:$0x3FDB];
	s0 =	simm.s32 @p2 $0x1  }
0x17: {  	s4 =	simm.s32 $0x1BF5;
	[smem:$0x3FB5] =	sst s0  }
0x18: {  	s0 =	sld [smem:$0x3F98];
	_ =	swait.ge [sflag:s4], $0x0  }
0x19: {  	s7 =	sld [smem:$0x3F99]  }
0x1a: {  	s8 =	sadd.s32 $0xFFFFE003, lr  }
0x1b: {  	s9 =	sadd.s32 $0xFFFFFEF7, lr;
	s5 =	simm.s32 $0xFFFFFFFF;
	p2 =	slt.u32 s8, $0xFFFFF086  }
0x1c: {  	p1 =	slt.u32 s9, $0xF7A;
	s5 =	simm.s32 @!p2 $0x0  }
0x1d: {  	s5 =	simm.s32 @p1 $0x1;
	p0 =	seq.s32 s7, s2  }
0x1e: {  	s7 =	smul.u32 @!p0 $0xF7A, s2;
	p2 =	seq.s32 @!p0 s5, $0x0  }
0x1f: {  	s9 =	smul.u32 $0xF7A, s1;
	s8 =	simm.s32 @!p0 $0x1BF5;
	p2 =	por !p2, p0  }
0x20: {  	[sflag:s8] =	ssyncset.s32 @!p0 $0xFFFFF086;
	s6 =	sadd.s32 @!p0 s3, s7;
	s7 =	simm.s32 @!p0 $0x108  }
0x21: {  	s3 =	sadd.s32 s3, s9;
	s6 =	sadd.s32 @!p0 $0x88, s6;
	s7 =	simm.s32 @p2 $0x1082  }
0x22: {  	[simem:s7], [sflag:s8] =	dma.local @!p0 [hbm:s6], $0xF7A  }
0x23: {  	s9 =	sor.u32 $0xD0000000, s2;
	s6 =	simm.s32 $0x108;
	_ =	swait.ge @!p0 [sflag:s8], $0x0  }
0x24: {  	s3 =	sadd.s32 $0x88, s3;
	s6 =	simm.s32 @!p1 $0x1082;
	[sflag:s4] =	ssyncset.s32 $0xFFFFF086  }
0x25: {  	[simem:s6], [sflag:s4] =	dma.local [hbm:s3], $0xF7A  }
0x26: {  	[smem:$0x3F99] =	sst s1;
	(tag) =	ssettag s2;
	_ =	strace s9  }
0x27: {  	s1 =	sld [smem:$0x3FA9]  }
0x28: {  	s2 =	sld [smem:$0x3FAA]  }
0x29: {  	s4 =	sld [smem:$0x3FAC]  }
0x2a: {  	p0 =	seq.s32 s5, $0x0;
	s5 =	sld [smem:$0x3FAD]  }
0x2b: {  	s6 =	sld [smem:$0x3FAE]  }
0x2c: {  	s7 =	sld [smem:$0x3FAF]  }
0x2d: {  	s3 =	simm.s32 $0x108;
	s8 =	sld [smem:$0x3FB0]  }
0x2e: {  	s3 =	simm.s32 @!p0 $0x1082;
	s9 =	sld [smem:$0x3FB1]  }
0x2f: {  	lr =	sadd.s32 s0, s3;
	s0 =	sld [smem:$0x3FA8]  }
0x30: {  	s3 =	sld [smem:$0x3FAB]  }
0x31: {  	[smem:$0x3FB4] =	sst s10  }
0x32: {  	s10 =	sld [smem:$0x3FB2];
	_ =	sdelay $0x3  }
0x33: {  	p0 =	seq.s32 s10, $0x1;
	s10 =	sld [smem:$0x3FB4];
	_ =	sdelay $0x3  }
0x34: {  	[smem:$0x3FB4] =	sst s10  }
0x35: {  	s10 =	sld [smem:$0x3FB3];
	_ =	sdelay $0x3  }
0x36: {  	p1 =	seq.s32 s10, $0x1;
	s10 =	sld [smem:$0x3FB4];
	_ =	sdelay $0x3  }
0x37: {  	[smem:$0x3FB4] =	sst s10  }
0x38: {  	s10 =	sld [smem:$0x3FB5]  }
0x39: {  	_ = 	snop;
	(pc) =	sbr.ind lr, $3  }
0x3a: {  	_ = 	snop  }
0x3b: {  	_ = 	snop  }
0x3c: {  	p2 =	seq.s32 s10, $0x1;
	s10 =	sld [smem:$0x3FB4]  }
0x3d: {  	_ =	shalt  }
0x3e: {  	_ =	shalt  }
0x3f: {  	_ =	shalt  }
0x40: {  	_ =	shalt  }
0x41: {  	_ =	shalt  }
0x42: {  	_ =	shalt  }
0x43: {  	_ =	shalt  }
0x44: {  	_ =	shalt  }
0x45: {  	_ =	shalt  }
0x46: {  	_ =	shalt  }
0x47: {  	_ =	shalt  }
0x48: {  	_ =	shalt  }
0x49: {  	_ =	shalt  }
0x4a: {  	_ =	shalt  }
0x4b: {  	_ =	shalt  }
0x4c: {  	_ =	shalt  }
0x4d: {  	_ =	shalt  }
0x4e: {  	_ =	shalt  }
0x4f: {  	_ =	shalt  }
0x50: {  	_ =	shalt  }
0x51: {  	_ =	shalt  }
0x52: {  	_ =	shalt  }
0x53: {  	_ =	shalt  }
0x54: {  	_ =	shalt  }
0x55: {  	_ =	shalt  }
0x56: {  	_ =	shalt  }
0x57: {  	_ =	shalt  }
0x58: {  	_ =	shalt  }
0x59: {  	_ =	shalt  }
0x5a: {  	_ =	shalt  }
0x5b: {  	_ =	shalt  }
0x5c: {  	_ =	shalt  }
0x5d: {  	_ =	shalt  }
0x5e: {  	_ =	shalt  }
0x5f: {  	_ =	shalt  }
0x60: {  	_ =	shalt  }
0x61: {  	_ =	shalt  }
0x62: {  	_ =	shalt  }
0x63: {  	_ =	shalt  }
0x64: {  	_ =	shalt  }
0x65: {  	_ =	shalt  }
0x66: {  	_ =	shalt  }
0x67: {  	_ =	shalt  }
0x68: {  	_ =	shalt  }
0x69: {  	_ =	shalt  }
0x6a: {  	_ =	shalt  }
0x6b: {  	_ =	shalt  }
0x6c: {  	_ =	shalt  }
0x6d: {  	_ =	shalt  }
0x6e: {  	_ =	shalt  }
0x6f: {  	_ =	shalt  }
0x70: {  	_ =	shalt  }
0x71: {  	_ =	shalt  }
0x72: {  	_ =	shalt  }
0x73: {  	_ =	shalt  }
0x74: {  	_ =	shalt  }
0x75: {  	_ =	shalt  }
0x76: {  	_ =	shalt  }
0x77: {  	_ =	shalt  }
0x78: {  	_ =	shalt  }
0x79: {  	_ =	shalt  }
0x7a: {  	_ =	shalt  }
0x7b: {  	_ =	shalt  }
0x7c: {  	_ =	shalt  }
0x7d: {  	_ =	shalt  }
0x7e: {  	_ =	shalt  }
0x7f: {  	_ =	shalt  }
0x80: {  	_ =	shalt  }
0x81: {  	_ =	shalt  }
0x82: {  	_ =	shalt  }
0x83: {  	_ =	shalt  }
0x84: {  	_ =	shalt  }
0x85: {  	_ =	shalt  }
0x86: {  	_ =	shalt  }
0x87: {  	_ =	shalt  }
.Lfunc_end0:
.L_simem_size_0:
called_computation_lowered:
.L_overlay_start_0:
0x88: {  	s2 =	sld [smem:$0x3FD9]  }
0x89: {  	s3 =	sld [smem:$0x3FFE];
	_ =	sdelay $0x1  }
0x8a: {  	s1 =	srdreg.scid  }
0x8b: {  	s0 =	sand.u32 $0x1, s1  }
0x8c: {  	s17 =	sshll.u32 s0, $0xA;
	s2 =	sadd.s32 s3, s2  }
0x8d: {  	s2 =	sadd.s32 s2, s17  }
0x8e: {  	[smem:$0x3FC0] =	sst s2  }
0x8f: {  	_ = 	snop  }
0x90: {  	s2 =	sld [smem:$0x3FD0];
	(tm) =	ssettm $0x1  }
0x91: {  	s18 =	sld [smem:$0x3FFB];
	_ =	sdelay $0x3  }
0x92: {  	_ =	strace s18  }
0x93: {  	s3 =	sld [smem:$0x3FFC];
	_ =	sdelay $0x3  }
0x94: {  	_ =	strace s3  }
0x95: {  	s3 =	sld [smem:$0x3FFD];
	_ =	sdelay $0x3  }
0x96: {  	_ =	strace s3  }
0x97: {  	_ =	strace $0x8FFFFFFF  }
0x98: {  	s19 =	sld [smem:$0x3FDB];
	_ =	sdelay $0x1  }
0x99: {  	s4 =	simm.s32 $_scs_section_size  }
0x9a: {  	s5 =	simm.s32 $_size__tile_overlayer_lowered;
	s6 =	simm.s32 $_tile_overlayer_lowered  }
0x9b: {  	s22 =	simm.s32 $0x1BFF;
	s21 =	sshll.u32 s6, $0x1;
	s3 =	sadd.s32 s4, s19  }
0x9c: {  	s7 =	simm.s32 $0x0;
	s20 =	sshll.u32 s5, $0x1;
	s5 =	sadd.s32 s21, s3  }
0x9d: {  	[timem:s7], [sflag:s22] =	dma.local [hbm:s5], s20  }
0x9e: {  	_ =	swait.ge [sflag:s22], s20  }
0x9f: {  	s4 =	ssub.s32 $0x0, s20;
	[sflag:s22] =	ssyncset.done $0x0  }
0xa0: {  	[sflag:s22] =	ssyncadd.s32 s4;
	_ =	sdelay $0x1  }
0xa1: {  	s23 =	simm.s32 $0x1B8B  }
0xa2: {  	_ =	swait.ge [sflag:s23], $0x1  }
0xa3: {  	[sflag:s23] =	ssyncset.done $0x0  }
0xa4: {  	s25 =	simm.s32 $0x1B8E;
	s24 =	sld [smem:$0x3FFE];
	[sflag:s23] =	ssyncadd.s32 $0xFFFFFFFF  }
0xa5: {  	s26 =	simm.s32 $execute0_lowered;
	[smem:$0x3FD2] =	sst s25  }
0xa6: {  	s5 =	sshll.u32 s26, $0x1;
	_ =	strace $0x80000046;
	[dreg:$0x1] =	wrdreg $0xFFFFFFFF  }
0xa7: {  	s28 =	simm.s32 $_size_execute0_lowered;
	s3 =	sadd.s32 s3, s5;
	[dreg:$0x0] =	wrdreg $0x0  }
0xa8: {  	s5 =	sshll.u32 s28, $0x1;
	[dreg:$0x2] =	wrdreg s3  }
0xa9: {  	[dreg:$0x3] =	wrdreg s5  }
0xaa: {  	[dreg:$0x4] =	wrdreg $0xC0  }
0xab: {  	_ =	task [dreg:s7], $0x5FFFF  }
0xac: {  	[dreg:$0x1] =	wrdreg $0xFFFFFFFF  }
0xad: {  	[dreg:$0x0] =	wrdreg $0x60  }
0xae: {  	[dreg:$0x2] =	wrdreg s2  }
0xaf: {  	[dreg:$0x3] =	wrdreg s24  }
0xb0: {  	[dreg:$0x4] =	wrdreg $0xB2A00  }
0xb1: {  	[dreg:$0x5] =	wrdreg $0x151B00  }
0xb2: {  	[dreg:$0x6] =	wrdreg $0x9  }
0xb3: {  	_ =	task.clear_ibuf [dreg:s7], $0x7FFFF;
	_ =	strace $0x90000046  }
0xb4: {  	s29 =	simm.s32 $0x9;
	_ =	strace $0x80000048  }
0xb5: {  	_ =	swait.ge [sflag:s29], $0x1  }
0xb6: {  	[sflag:s29] =	ssyncadd.s32 $0xFFFFFFFF  }
0xb7: {  	_ =	strace $0x90000048  }
0xb8: {  	_ =	sfence  }
0xb9: {  	s30 =	sld [smem:$0x0];
	_ =	sdelay $0x2  }
0xba: {  	s31 =	sshll.u32 s1, $0xD;
	s1 =	sshrl.u32 s1, $0x2  }
0xbb: {  	s3 =	sand.u32 $0x4000, s31;
	s1 =	sadd.s32 s1, s30  }
0xbc: {  	s0 =	sor.u32 s3, s0;
	s1 =	sshll.u32 s1, $0x11  }
0xbd: {  	s0 =	sor.u32 s1, s0  }
0xbe: {  	s0 =	sadd.s32 $0x8F2B, s0  }
0xbf: {  	[sflag:s0] =	ssyncadd.remote.s32 $0x1  }
0xc0: {  	_ =	sfence.sel $0xFFFF  }
0xc1: {  	[dreg:$0x0] =	wrdreg $0xFFFFFFFF;
	(pc) =	sbr.abs _section_cstart, $3  }
0xc2: {  	[dreg:$0x1] =	wrdreg $0xFFFFFFFF  }
0xc3: {  	_ =	task.clear_ibuf [dreg:s7], $0x2FFFF;
	_ =	strace $0x9FFFFFFF  }
0xc4: {  	(tm) =	ssettm $0x7FFFFFFF  }
0xc5: {  	_ =	shalt  }
tec
execute0_lowered:
.L_overlay_start_1:
0x0: {  	(tag) =	ssettag $0x1  }
0x1: {  	s8 =	rddreg [dreg:$0x0]  }
0x2: {  	s5 =	rddreg [dreg:$0x1]  }
0x3: {  	s2 =	rddreg [dreg:$0x2]  }
0x4: {  	s3 =	rddreg [dreg:$0x3]  }
0x5: {  	s0 =	rddreg [dreg:$0x4]  }
0x6: {  	s4 =	simm.s32 $0x0;
	s1 =	stileid.u32;
	s25 =	srdreg.scid  }
0x7: {  	s18 =	simm.s32 $0x50;
	s19 =	simm.s32 $0xA0;
	s6 =	smul.u32 $0x9C4, s1  }
0x8: {  	s20 =	simm.s32 $0x1;
	s22 =	simm.s32 $0x0;
	s7 =	smul.u32 $0x280, s1  }
0x9: {  	[smem:$0x7FF] =	sst s4;
	s10 =	sadd.s32 $0x15400, s5;
	s26 =	smul.u32 $0x27800, s1  }
0xa: {  	s17 =	sand.u32 $0x1, s25;
	s13 =	smul.u32 $0x9E00, s1;
	p0 =	seq.s32 s1, $0xF  }
0xb: {  	_ =	strace $0x80000047;
	s28 =	ssub.s32 $0x2, s17;
	s29 =	smul.u32 $0x9C400, s17  }
0xc: {  	s15 =	smul.u32 $0x13880, s17;
	p1 =	sne.s32 s17, $0x0;
	s17 =	simm.s32 $0x3  }
0xd: {  	s14 =	sadd.s32 s6, s5;
	s9 =	sshrl.u32 s7, $0x3;
	s12 =	sshrl.u32 s28, $0x1  }
0xe: {  	s6 =	sshrl.u32 s26, $0x2;
	s7 =	sadd.s32 s7, s3;
	s21 =	sadd.s32 s13, s2  }
0xf: {  	s11 =	sadd.s32 s9, s5;
	s12 =	ssub.s32 s28, s12;
	s5 =	sadd.s32 s6, s2  }
0x10: {  	s6 =	sadd.s32 $0x94200, s2;
	s16 =	sadd.s32 s13, s29;
	s8 =	sadd.s32 s8, s15  }
0x11: {  	s31 =	sshrl.u32 s29, $0x3;
	s13 =	sadd.s32 $0x1200, s14;
	s14 =	sadd.s32 $0xB000, s14  }
0x12: {  	s15 =	simm.s32 $0x14F30;
	s21 =	sshrl.u32 @!p0 s21, $0x3;
	s30 =	sshrl.u32 s16, $0x3  }
0x13: {  	s11 =	sadd.s32 $0x14E00, s11;
	s9 =	sadd.s32 s10, s30;
	s10 =	sadd.s32 s10, s31  }
0x14: {  	v0 =	vimm.f32 $0.0e+00;
	v1 =	vimm.f32 $1.000000000e+00;
	s12 =	smax.u32 s12, $0x1;
	s16 =	simm.s32 $0x2;
	s10 =	sadd.s32 $0x12840, s10  }
.LBB2_1:
0x15: {  	s24 =	simm.s32 $0x100;
	s23 =	simm.s32 $0x0  }
.LBB2_2:
0x16: {  	p2 =	sne.s32 s24, $0x27700;
	[tilespmem:s23+$0x14D0] =	vst v0;
	s25 =	smov.u32 s24;
	s24 =	sadd.s32 $0x100, s24  }
.Ltmp0:
0x17: {  	[tilespmem:s23+$0x14C0] =	vst v0;
	(pc) =	sbr.rel @p2 .LBB2_2-.Ltmp0, $3  }
0x18: {  	[tilespmem:s23+$0x14A0] =	vst v0  }
0x19: {  	[tilespmem:s23+$0x14B0] =	vst v0;
	_ =	sdelay $0x1  }
0x1a: {  	s23 =	sshra.s32 s25, $0x2  }
0x1b: {  	[tilespmem:s23+$0x14D0] =	vst v0  }
0x1c: {  	[tilespmem:s23+$0x14C0] =	vst v0  }
0x1d: {  	[tilespmem:s23+$0x14A0] =	vst v0  }
0x1e: {  	[tilespmem:s23+$0x14B0] =	vst v0;
	s23 =	simm.s32 @p0 $0x14A0  }
0x1f: {  	[spmem:s6] =	stream.linear.scatter @p0 [tilespmem:s23], [sflag:$0x2], $0x8200, $0x38;
	[tilespmem:$0x15430] =	vst v63  }
0x20: {  	s23 =	simm.s32 @p0 $0x2  }
0x21: {  	_ =	swait.ge @p0 [sflag:s23], $0x8200  }
0x22: {  	[sflag:s23] =	ssyncset.done @p0 $0x0  }
0x23: {  	[sflag:s23] =	ssyncadd.s32 @p0 $0xFFFF7E00;
	s23 =	simm.s32 @!p0 $0x14A0  }
0x24: {  	[spmem:s5] =	stream.linear.scatter @!p0 [tilespmem:s23], [sflag:$0x2], $0x9E00, $0x38;
	[tilespmem:$0x15430] =	vst v63  }
0x25: {  	s23 =	simm.s32 @!p0 $0x2  }
0x26: {  	_ =	swait.ge @!p0 [sflag:s23], $0x9E00  }
0x27: {  	[sflag:s23] =	ssyncset.done @!p0 $0x0  }
0x28: {  	[sflag:s23] =	ssyncadd.s32 @!p0 $0xFFFF6200  }
0x29: {  	[tilespmem:$0x14EE0] =	vst v1  }
0x2a: {  	[tilespmem:$0x14EF0] =	vst v1  }
0x2b: {  	[tilespmem:$0x14F00] =	vst v1  }
0x2c: {  	[tilespmem:$0x14F10] =	vst v1  }
0x2d: {  	[tilespmem:$0x14F20] =	vst v1  }
0x2e: {  	[tilespmem:$0x14F30] =	vst v0  }
0x2f: {  	[tilespmem:$0x14F40] =	vst v0  }
0x30: {  	[tilespmem:$0x14F50] =	vst v0  }
0x31: {  	[tilespmem:$0x14F60] =	vst v0  }
0x32: {  	[tilespmem:$0x14F70] =	vst v0  }
0x33: {  	[tilespmem:$0x14F80] =	vst v0  }
0x34: {  	[tilespmem:$0x14F90] =	vst v0  }
0x35: {  	[tilespmem:$0x14FA0] =	vst v0  }
0x36: {  	[tilespmem:$0x14FB0] =	vst v0  }
0x37: {  	[tilespmem:$0x14FC0] =	vst v0  }
0x38: {  	[tilespmem:$0x14FD0] =	vst v0  }
0x39: {  	[tilespmem:$0x14FE0] =	vst v0  }
0x3a: {  	[tilespmem:$0x14FF0] =	vst v0  }
0x3b: {  	[tilespmem:$0x15000] =	vst v0  }
0x3c: {  	[tilespmem:$0x15010] =	vst v0  }
0x3d: {  	[tilespmem:$0x15020] =	vst v0  }
0x3e: {  	[tilespmem:$0x15030] =	vst v0  }
0x3f: {  	[tilespmem:$0x15040] =	vst v0  }
0x40: {  	[tilespmem:$0x15050] =	vst v0  }
0x41: {  	[tilespmem:$0x15060] =	vst v0  }
0x42: {  	[tilespmem:$0x15070] =	vst v0  }
0x43: {  	[tilespmem:$0x15080] =	vst v0  }
0x44: {  	[tilespmem:$0x15090] =	vst v0  }
0x45: {  	[tilespmem:$0x150A0] =	vst v0  }
0x46: {  	[tilespmem:$0x150B0] =	vst v0  }
0x47: {  	[tilespmem:$0x150C0] =	vst v0  }
0x48: {  	[tilespmem:$0x150D0] =	vst v0  }
0x49: {  	[tilespmem:$0x150E0] =	vst v0  }
0x4a: {  	[tilespmem:$0x150F0] =	vst v0  }
0x4b: {  	[tilespmem:$0x15100] =	vst v0  }
0x4c: {  	[tilespmem:$0x15110] =	vst v0  }
0x4d: {  	[tilespmem:$0x15120] =	vst v0  }
0x4e: {  	[tilespmem:$0x15130] =	vst v0  }
0x4f: {  	[tilespmem:$0x15140] =	vst v0  }
0x50: {  	[tilespmem:$0x15150] =	vst v0  }
0x51: {  	[tilespmem:$0x15160] =	vst v0  }
0x52: {  	[tilespmem:$0x15170] =	vst v0  }
0x53: {  	[tilespmem:$0x15180] =	vst v0  }
0x54: {  	[tilespmem:$0x15190] =	vst v0  }
0x55: {  	[tilespmem:$0x151A0] =	vst v0  }
0x56: {  	[spmem:s7] =	stream.linear.scatter [tilespmem:s15], [sflag:$0x2], $0x280, $0x38;
	[tilespmem:$0x15430] =	vst v63  }
0x57: {  	_ =	swait.ge [sflag:s16], $0x280  }
0x58: {  	[sflag:s16] =	ssyncset.done $0x0  }
0x59: {  	[sflag:s16] =	ssyncadd.s32 $0xFFFFFD80  }
0x5a: {  	s30 =	sadd.s32 $0x0, s14;
	[bflag:$0x0] =	sbarrier.arrive $0xFFFF  }
0x5b: {  	[tilespmem:s4], [sflag:$0x3] =	stream.linear.gather [hbm4b:s30+s4], $0x50, $0x38;
	[tilespmem:$0x15430] =	vst v63  }
0x5c: {  	_ =	swait.ge [sflag:s17], $0x50  }
0x5d: {  	[sflag:s17] =	ssyncset.done $0x0  }
0x5e: {  	s31 =	sadd.s32 $0x0, s13;
	[sflag:s17] =	ssyncadd.s32 $0xFFFFFFB0  }
0x5f: {  	[tilespmem:s18], [sflag:$0x3] =	stream.linear.gather [hbm4b:s31+s4], $0x50, $0x38;
	[tilespmem:$0x15430] =	vst v63  }
0x60: {  	_ =	swait.ge [sflag:s17], $0x50  }
0x61: {  	[sflag:s17] =	ssyncset.done $0x0  }
0x62: {  	[sflag:s17] =	ssyncadd.s32 $0xFFFFFFB0  }
0x63: {  	[tilespmem:s19], [sflag:$0x1] =	stream.indirect.gather [hbm4b:s8+s18], $0x40, s4, s18, $0xb8;
	[tilespmem:$0x15430] =	vst v63  }
0x64: {  	_ =	swait.ge [sflag:s20], $0x1400  }
0x65: {  	[sflag:s20] =	ssyncset.done $0x0  }
0x66: {  	[sflag:s20] =	ssyncadd.s32 $0xFFFFEC00  }
0x67: {  	[spmem:s2] =	stream.indirect.scatter.add.f32 [tilespmem:s19], [sflag:$0x3], $0x40, s18, s18, $0xb8;
	[tilespmem:$0x15430] =	vst v63  }
0x68: {  	_ =	swait.ge [sflag:s17], $0x1400  }
0x69: {  	s25 =	simm.s32 @!p1 $0x50;
	[sflag:s17] =	ssyncset.done $0x0  }
0x6a: {  	s26 =	simm.s32 @!p1 $0x14EE0;
	s23 =	simm.s32 @!p1 $0x2;
	[sflag:s17] =	ssyncadd.s32 $0xFFFFEC00  }
0x6b: {  	[spmem:s3] =	stream.indirect.scatter.add.f32 @!p1 [tilespmem:s26], [sflag:$0x2], $0x1, s25, s25, $0xb8;
	[tilespmem:$0x15430] =	vst v63  }
0x6c: {  	_ =	swait.ge @!p1 [sflag:s23], $0x50  }
0x6d: {  	s24 =	simm.s32 $0xA;
	s28 =	simm.s32 $0x14;
	[sflag:s23] =	ssyncset.done @!p1 $0x0  }
.LBB2_4:
0x6e: {  	s29 =	sadd.s32 s24, s14  }
0x6f: {  	[sflag:s23] =	ssyncadd.s32 @!p1 $0xFFFFFFB0;
	s30 =	smov.u32 s28;
	s28 =	sadd.s32 $0xA, s28  }
0x70: {  	[tilespmem:s4], [sflag:$0x3] =	stream.linear.gather [hbm4b:s29+s4], $0x50, $0x38;
	[tilespmem:$0x15430] =	vst v63  }
0x71: {  	p2 =	sne.s32 s28, $0x9C4;
	_ =	swait.ge [sflag:s17], $0x50  }
0x72: {  	[sflag:s17] =	ssyncset.done $0x0  }
0x73: {  	s29 =	sadd.s32 s24, s13;
	s24 =	smov.u32 s30;
	[sflag:s17] =	ssyncadd.s32 $0xFFFFFFB0  }
0x74: {  	[tilespmem:s18], [sflag:$0x3] =	stream.linear.gather [hbm4b:s29+s4], $0x50, $0x38;
	[tilespmem:$0x15430] =	vst v63  }
0x75: {  	_ =	swait.ge [sflag:s17], $0x50  }
0x76: {  	[sflag:s17] =	ssyncset.done $0x0  }
0x77: {  	[sflag:s17] =	ssyncadd.s32 $0xFFFFFFB0  }
0x78: {  	[tilespmem:s19], [sflag:$0x1] =	stream.indirect.gather [hbm4b:s8+s18], $0x40, s4, s18, $0xb8;
	[tilespmem:$0x15430] =	vst v63  }
0x79: {  	_ =	swait.ge [sflag:s20], $0x1400  }
0x7a: {  	[sflag:s20] =	ssyncset.done $0x0  }
0x7b: {  	[sflag:s20] =	ssyncadd.s32 $0xFFFFEC00  }
0x7c: {  	[spmem:s2] =	stream.indirect.scatter.add.f32 [tilespmem:s19], [sflag:$0x3], $0x40, s18, s18, $0xb8;
	[tilespmem:$0x15430] =	vst v63  }
0x7d: {  	_ =	swait.ge [sflag:s17], $0x1400  }
.Ltmp1:
0x7e: {  	[sflag:s17] =	ssyncset.done $0x0;
	(pc) =	sbr.rel @p2 .LBB2_4-.Ltmp1, $4  }
0x7f: {  	[sflag:s17] =	ssyncadd.s32 $0xFFFFEC00  }
0x80: {  	[spmem:s3] =	stream.indirect.scatter.add.f32 @!p1 [tilespmem:s26], [sflag:$0x2], $0x1, s25, s25, $0xb8;
	[tilespmem:$0x15430] =	vst v63  }
0x81: {  	_ =	swait.ge @!p1 [sflag:s23], $0x50  }
0x82: {  	[sflag:s23] =	ssyncset.done @!p1 $0x0  }
0x83: {  	s25 =	sadd.s32 s24, s14;
	[sflag:s23] =	ssyncadd.s32 @!p1 $0xFFFFFFB0  }
0x84: {  	[tilespmem:s4], [sflag:$0x3] =	stream.linear.gather [hbm4b:s25+s4], $0x50, $0x38;
	[tilespmem:$0x15430] =	vst v63  }
0x85: {  	_ =	swait.ge [sflag:s17], $0x50  }
0x86: {  	[sflag:s17] =	ssyncset.done $0x0  }
0x87: {  	s31 =	sadd.s32 s24, s13;
	[sflag:s17] =	ssyncadd.s32 $0xFFFFFFB0  }
0x88: {  	[tilespmem:s18], [sflag:$0x3] =	stream.linear.gather [hbm4b:s31+s4], $0x50, $0x38;
	[tilespmem:$0x15430] =	vst v63  }
0x89: {  	_ =	swait.ge [sflag:s17], $0x50  }
0x8a: {  	[sflag:s17] =	ssyncset.done $0x0  }
0x8b: {  	[sflag:s17] =	ssyncadd.s32 $0xFFFFFFB0  }
0x8c: {  	[tilespmem:s19], [sflag:$0x1] =	stream.indirect.gather [hbm4b:s8+s18], $0x40, s4, s18, $0xb8;
	[tilespmem:$0x15430] =	vst v63  }
0x8d: {  	_ =	swait.ge [sflag:s20], $0x1400  }
0x8e: {  	[sflag:s20] =	ssyncset.done $0x0  }
0x8f: {  	[sflag:s20] =	ssyncadd.s32 $0xFFFFEC00  }
0x90: {  	[spmem:s2] =	stream.indirect.scatter.add.f32 [tilespmem:s19], [sflag:$0x3], $0x40, s18, s18, $0xb8;
	[tilespmem:$0x15430] =	vst v63  }
0x91: {  	_ =	swait.ge [sflag:s17], $0x1400  }
0x92: {  	s23 =	simm.s32 @!p1 $0x2;
	[sflag:s17] =	ssyncset.done $0x0  }
0x93: {  	s24 =	simm.s32 @!p1 $0x50;
	s25 =	simm.s32 @!p1 $0x14EE0;
	[sflag:s17] =	ssyncadd.s32 $0xFFFFEC00  }
0x94: {  	[spmem:s3] =	stream.indirect.scatter.add.f32 @!p1 [tilespmem:s25], [sflag:$0x2], $0x1, s24, s24, $0xb8;
	[tilespmem:$0x15430] =	vst v63  }
0x95: {  	_ =	swait.ge @!p1 [sflag:s23], $0x50  }
0x96: {  	[sflag:s23] =	ssyncset.done @!p1 $0x0  }
0x97: {  	[sflag:s23] =	ssyncadd.s32 @!p1 $0xFFFFFFB0  }
0x98: {  	s24 =	sshrl.u32 @p0 s6, $0x3;
	s25 =	simm.s32 @p0 $0x1FC2;
	[bflag:$0x0] =	sbarrier.arrive $0xFFFF  }
0x99: {  	[hbm:s10], [sflag:s25] =	dma.local @p0 [spmem:s24], $0x1040  }
0x9a: {  	s24 =	simm.s32 @p0 $0x2  }
0x9b: {  	_ =	swait.ge @p0 [sflag:s24], $0x1040  }
0x9c: {  	s25 =	sshll.u32 @!p0 s1, $0x6;
	[sflag:s24] =	ssyncset.done @p0 $0x0  }
0x9d: {  	[sflag:s24] =	ssyncadd.s32 @p0 $0xFFFFEFC0;
	s24 =	sor.u32 @!p0 $0x1C02, s25  }
0x9e: {  	[hbm:s9], [sflag:s24] =	dma.local @!p0 [spmem:s21], $0x13C0  }
0x9f: {  	s24 =	simm.s32 @!p0 $0x2  }
0xa0: {  	_ =	swait.ge @!p0 [sflag:s24], $0x13C0  }
0xa1: {  	s22 =	sadd.s32 $0x1, s22;
	[sflag:s24] =	ssyncset.done @!p0 $0x0  }
0xa2: {  	p2 =	sne.s32 s22, s12;
	s25 =	sshll.u32 @!p1 s1, $0x6;
	[sflag:s24] =	ssyncadd.s32 @!p0 $0xFFFFEC40  }
.Ltmp2:
0xa3: {  	s24 =	sor.u32 @!p1 $0x1C02, s25;
	s25 =	sshrl.u32 @!p1 s7, $0x3;
	(pc) =	sbr.rel @p2 .LBB2_1-.Ltmp2, $4  }
0xa4: {  	[hbm:s11], [sflag:s24] =	dma.local @!p1 [spmem:s25], $0x50  }
0xa5: {  	_ =	swait.ge @!p1 [sflag:s23], $0x50  }
0xa6: {  	[sflag:s23] =	ssyncset.done @!p1 $0x0  }
0xa7: {  	[sflag:s23] =	ssyncadd.s32 @!p1 $0xFFFFFFB0  }
0xa8: {  	_ =	sfence.sel $0x180000  }
0xa9: {  	[bflag:$0x0] =	sbarrier.arrive $0xFFFF  }
0xaa: {  	p0 =	sne.s32 s1, $0x0;
	_ =	strace $0x90000047  }
0xab: {  	s0 =	sadd.s32 @!p0 $0x100000, s0;
	[bflag:$0x2] =	sbarrier.arrive $0xFFFF  }
0xac: {  	[sflag:s0] =	ssyncadd.tile.s32 @!p0 $0x1;
	_ =	shalt  }
.Lfunc_end2:
_tile_overlayer_lowered:
.L_overlay_start_2:
0xad: {  	(tag) =	ssettag $0x2  }
0xae: {  	s0 =	rddreg [dreg:$0x0];
	s2 =	stileid.u32  }
0xaf: {  	s1 =	rddreg [dreg:$0x1];
	p0 =	sne.s32 s2, $0x0  }
0xb0: {  	s3 =	rddreg [dreg:$0x2];
	[bflag:$0x3] =	sbarrier.arrive $0xFFFF;
	s2 =	simm.s32 @!p0 $0x1C02  }
0xb1: {  	[timem:s3], [sflag:s2] =	dma.local @!p0 [hbm:s0], s1  }
0xb2: {  	s0 =	simm.s32 @!p0 $0x2  }
0xb3: {  	_ =	swait.ge @!p0 [sflag:s0], s1  }
0xb4: {  	s1 =	ssub.s32 @!p0 $0x0, s1;
	[sflag:s0] =	ssyncset.done @!p0 $0x0  }
0xb5: {  	[sflag:s0] =	ssyncadd.s32 @!p0 s1  }
0xb6: {  	[bflag:$0x3] =	sbarrier.arrive $0xFFFF  }
0xb7: {  	_ =	shalt  }

// kernel: kernel.9.cloned.1.call-start
scs
__scs_entry_jumppad:
0x0: {  	(pc) =	sbr.rel $0x88, $3  }
0x1: {  	(tag) =	ssettag $0x0;
	lr =	simm.s32 $0x1  }
0x2: {  	[smem:$0x3F99] =	sst lr;
	_ =	strace $0xD0000000  }
0x3: {  	_ = 	snop  }
0x4: {  	_ = 	snop  }
0x5: {  	_ = 	snop  }
0x6: {  	_ = 	snop  }
0x7: {  	_ = 	snop  }
__scs_overlays_trampoline_lowered:
0x8: {  	[smem:$0x3FA8] =	sst s0  }
0x9: {  	[smem:$0x3FA9] =	sst s1  }
0xa: {  	[smem:$0x3FAA] =	sst s2  }
0xb: {  	[smem:$0x3FAB] =	sst s3  }
0xc: {  	[smem:$0x3FAC] =	sst s4  }
0xd: {  	[smem:$0x3FAD] =	sst s5  }
0xe: {  	[smem:$0x3FAE] =	sst s6  }
0xf: {  	[smem:$0x3FAF] =	sst s7  }
0x10: {  	[smem:$0x3FB0] =	sst s8  }
0x11: {  	[smem:$0x3FB1] =	sst s9;
	s0 =	simm.s32 @!p0 $0x0  }
0x12: {  	s1 =	sld [smem:$0x3F97];
	s0 =	simm.s32 @p0 $0x1  }
0x13: {  	[smem:$0x3FB2] =	sst s0;
	s0 =	simm.s32 @!p1 $0x0  }
0x14: {  	s2 =	sld [smem:$0x3F96];
	s0 =	simm.s32 @p1 $0x1  }
0x15: {  	[smem:$0x3FB3] =	sst s0;
	s0 =	simm.s32 @!p2 $0x0  }
0x16: {  	s3 =	sld [smem:$0x3FDB];
	s0 =	simm.s32 @p2 $0x1  }
0x17: {  	s4 =	simm.s32 $0x1BF5;
	[smem:$0x3FB5] =	sst s0  }
0x18: {  	s0 =	sld [smem:$0x3F98];
	_ =	swait.ge [sflag:s4], $0x0  }
0x19: {  	s7 =	sld [smem:$0x3F99]  }
0x1a: {  	s8 =	sadd.s32 $0xFFFFE003, lr  }
0x1b: {  	s9 =	sadd.s32 $0xFFFFFEF7, lr;
	s5 =	simm.s32 $0xFFFFFFFF;
	p2 =	slt.u32 s8, $0xFFFFF086  }
0x1c: {  	p1 =	slt.u32 s9, $0xF7A;
	s5 =	simm.s32 @!p2 $0x0  }
0x1d: {  	s5 =	simm.s32 @p1 $0x1;
	p0 =	seq.s32 s7, s2  }
0x1e: {  	s7 =	smul.u32 @!p0 $0xF7A, s2;
	p2 =	seq.s32 @!p0 s5, $0x0  }
0x1f: {  	s9 =	smul.u32 $0xF7A, s1;
	s8 =	simm.s32 @!p0 $0x1BF5;
	p2 =	por !p2, p0  }
0x20: {  	[sflag:s8] =	ssyncset.s32 @!p0 $0xFFFFF086;
	s6 =	sadd.s32 @!p0 s3, s7;
	s7 =	simm.s32 @!p0 $0x108  }
0x21: {  	s3 =	sadd.s32 s3, s9;
	s6 =	sadd.s32 @!p0 $0x88, s6;
	s7 =	simm.s32 @p2 $0x1082  }
0x22: {  	[simem:s7], [sflag:s8] =	dma.local @!p0 [hbm:s6], $0xF7A  }
0x23: {  	s9 =	sor.u32 $0xD0000000, s2;
	s6 =	simm.s32 $0x108;
	_ =	swait.ge @!p0 [sflag:s8], $0x0  }
0x24: {  	s3 =	sadd.s32 $0x88, s3;
	s6 =	simm.s32 @!p1 $0x1082;
	[sflag:s4] =	ssyncset.s32 $0xFFFFF086  }
0x25: {  	[simem:s6], [sflag:s4] =	dma.local [hbm:s3], $0xF7A  }
0x26: {  	[smem:$0x3F99] =	sst s1;
	(tag) =	ssettag s2;
	_ =	strace s9  }
0x27: {  	s1 =	sld [smem:$0x3FA9]  }
0x28: {  	s2 =	sld [smem:$0x3FAA]  }
0x29: {  	s4 =	sld [smem:$0x3FAC]  }
0x2a: {  	p0 =	seq.s32 s5, $0x0;
	s5 =	sld [smem:$0x3FAD]  }
0x2b: {  	s6 =	sld [smem:$0x3FAE]  }
0x2c: {  	s7 =	sld [smem:$0x3FAF]  }
0x2d: {  	s3 =	simm.s32 $0x108;
	s8 =	sld [smem:$0x3FB0]  }
0x2e: {  	s3 =	simm.s32 @!p0 $0x1082;
	s9 =	sld [smem:$0x3FB1]  }
0x2f: {  	lr =	sadd.s32 s0, s3;
	s0 =	sld [smem:$0x3FA8]  }
0x30: {  	s3 =	sld [smem:$0x3FAB]  }
0x31: {  	[smem:$0x3FB4] =	sst s10  }
0x32: {  	s10 =	sld [smem:$0x3FB2];
	_ =	sdelay $0x3  }
0x33: {  	p0 =	seq.s32 s10, $0x1;
	s10 =	sld [smem:$0x3FB4];
	_ =	sdelay $0x3  }
0x34: {  	[smem:$0x3FB4] =	sst s10  }
0x35: {  	s10 =	sld [smem:$0x3FB3];
	_ =	sdelay $0x3  }
0x36: {  	p1 =	seq.s32 s10, $0x1;
	s10 =	sld [smem:$0x3FB4];
	_ =	sdelay $0x3  }
0x37: {  	[smem:$0x3FB4] =	sst s10  }
0x38: {  	s10 =	sld [smem:$0x3FB5]  }
0x39: {  	_ = 	snop;
	(pc) =	sbr.ind lr, $3  }
0x3a: {  	_ = 	snop  }
0x3b: {  	_ = 	snop  }
0x3c: {  	p2 =	seq.s32 s10, $0x1;
	s10 =	sld [smem:$0x3FB4]  }
0x3d: {  	_ =	shalt  }
0x3e: {  	_ =	shalt  }
0x3f: {  	_ =	shalt  }
0x40: {  	_ =	shalt  }
0x41: {  	_ =	shalt  }
0x42: {  	_ =	shalt  }
0x43: {  	_ =	shalt  }
0x44: {  	_ =	shalt  }
0x45: {  	_ =	shalt  }
0x46: {  	_ =	shalt  }
0x47: {  	_ =	shalt  }
0x48: {  	_ =	shalt  }
0x49: {  	_ =	shalt  }
0x4a: {  	_ =	shalt  }
0x4b: {  	_ =	shalt  }
0x4c: {  	_ =	shalt  }
0x4d: {  	_ =	shalt  }
0x4e: {  	_ =	shalt  }
0x4f: {  	_ =	shalt  }
0x50: {  	_ =	shalt  }
0x51: {  	_ =	shalt  }
0x52: {  	_ =	shalt  }
0x53: {  	_ =	shalt  }
0x54: {  	_ =	shalt  }
0x55: {  	_ =	shalt  }
0x56: {  	_ =	shalt  }
0x57: {  	_ =	shalt  }
0x58: {  	_ =	shalt  }
0x59: {  	_ =	shalt  }
0x5a: {  	_ =	shalt  }
0x5b: {  	_ =	shalt  }
0x5c: {  	_ =	shalt  }
0x5d: {  	_ =	shalt  }
0x5e: {  	_ =	shalt  }
0x5f: {  	_ =	shalt  }
0x60: {  	_ =	shalt  }
0x61: {  	_ =	shalt  }
0x62: {  	_ =	shalt  }
0x63: {  	_ =	shalt  }
0x64: {  	_ =	shalt  }
0x65: {  	_ =	shalt  }
0x66: {  	_ =	shalt  }
0x67: {  	_ =	shalt  }
0x68: {  	_ =	shalt  }
0x69: {  	_ =	shalt  }
0x6a: {  	_ =	shalt  }
0x6b: {  	_ =	shalt  }
0x6c: {  	_ =	shalt  }
0x6d: {  	_ =	shalt  }
0x6e: {  	_ =	shalt  }
0x6f: {  	_ =	shalt  }
0x70: {  	_ =	shalt  }
0x71: {  	_ =	shalt  }
0x72: {  	_ =	shalt  }
0x73: {  	_ =	shalt  }
0x74: {  	_ =	shalt  }
0x75: {  	_ =	shalt  }
0x76: {  	_ =	shalt  }
0x77: {  	_ =	shalt  }
0x78: {  	_ =	shalt  }
0x79: {  	_ =	shalt  }
0x7a: {  	_ =	shalt  }
0x7b: {  	_ =	shalt  }
0x7c: {  	_ =	shalt  }
0x7d: {  	_ =	shalt  }
0x7e: {  	_ =	shalt  }
0x7f: {  	_ =	shalt  }
0x80: {  	_ =	shalt  }
0x81: {  	_ =	shalt  }
0x82: {  	_ =	shalt  }
0x83: {  	_ =	shalt  }
0x84: {  	_ =	shalt  }
0x85: {  	_ =	shalt  }
0x86: {  	_ =	shalt  }
0x87: {  	_ =	shalt  }
.Lfunc_end0:
.L_simem_size_0:
called_computation.1_lowered:
.L_overlay_start_0:
0x88: {  	s2 =	sld [smem:$0x3FD9]  }
0x89: {  	s3 =	sld [smem:$0x3FFE];
	_ =	sdelay $0x1  }
0x8a: {  	s1 =	srdreg.scid  }
0x8b: {  	s0 =	sand.u32 $0x1, s1  }
0x8c: {  	s17 =	sshll.u32 s0, $0xA;
	s2 =	sadd.s32 s3, s2  }
0x8d: {  	s2 =	sadd.s32 s2, s17  }
0x8e: {  	[smem:$0x3FC0] =	sst s2  }
0x8f: {  	_ = 	snop  }
0x90: {  	s2 =	sld [smem:$0x3FD0];
	(tm) =	ssettm $0x1  }
0x91: {  	s18 =	sld [smem:$0x3FFB];
	_ =	sdelay $0x3  }
0x92: {  	_ =	strace s18  }
0x93: {  	s3 =	sld [smem:$0x3FFC];
	_ =	sdelay $0x3  }
0x94: {  	_ =	strace s3  }
0x95: {  	s3 =	sld [smem:$0x3FFD];
	_ =	sdelay $0x3  }
0x96: {  	_ =	strace s3  }
0x97: {  	_ =	strace $0x8FFFFFFF  }
0x98: {  	s19 =	sld [smem:$0x3FDB];
	_ =	sdelay $0x1  }
0x99: {  	s4 =	simm.s32 $_scs_section_size  }
0x9a: {  	s5 =	simm.s32 $_size__tile_overlayer_lowered;
	s6 =	simm.s32 $_tile_overlayer_lowered  }
0x9b: {  	s22 =	simm.s32 $0x1BFF;
	s21 =	sshll.u32 s6, $0x1;
	s3 =	sadd.s32 s4, s19  }
0x9c: {  	s7 =	simm.s32 $0x0;
	s20 =	sshll.u32 s5, $0x1;
	s5 =	sadd.s32 s21, s3  }
0x9d: {  	[timem:s7], [sflag:s22] =	dma.local [hbm:s5], s20  }
0x9e: {  	_ =	swait.ge [sflag:s22], s20  }
0x9f: {  	s4 =	ssub.s32 $0x0, s20;
	[sflag:s22] =	ssyncset.done $0x0  }
0xa0: {  	[sflag:s22] =	ssyncadd.s32 s4;
	_ =	sdelay $0x1  }
0xa1: {  	s23 =	simm.s32 $0x1B8B  }
0xa2: {  	_ =	swait.ge [sflag:s23], $0x1  }
0xa3: {  	[sflag:s23] =	ssyncset.done $0x0  }
0xa4: {  	s25 =	simm.s32 $0x1B8E;
	s24 =	sld [smem:$0x3FFE];
	[sflag:s23] =	ssyncadd.s32 $0xFFFFFFFF  }
0xa5: {  	s26 =	simm.s32 $execute0_lowered;
	[smem:$0x3FD2] =	sst s25  }
0xa6: {  	s5 =	sshll.u32 s26, $0x1;
	_ =	strace $0x80000049;
	[dreg:$0x1] =	wrdreg $0xFFFFFFFF  }
0xa7: {  	s28 =	simm.s32 $_size_execute0_lowered;
	s3 =	sadd.s32 s3, s5;
	[dreg:$0x0] =	wrdreg $0x0  }
0xa8: {  	s5 =	sshll.u32 s28, $0x1;
	[dreg:$0x2] =	wrdreg s3  }
0xa9: {  	[dreg:$0x3] =	wrdreg s5  }
0xaa: {  	[dreg:$0x4] =	wrdreg $0xC0  }
0xab: {  	_ =	task [dreg:s7], $0x5FFFF  }
0xac: {  	[dreg:$0x1] =	wrdreg $0xFFFFFFFF  }
0xad: {  	[dreg:$0x0] =	wrdreg $0x60  }
0xae: {  	[dreg:$0x2] =	wrdreg s2  }
0xaf: {  	[dreg:$0x3] =	wrdreg s24  }
0xb0: {  	[dreg:$0x4] =	wrdreg $0xB2A00  }
0xb1: {  	[dreg:$0x5] =	wrdreg $0x9  }
0xb2: {  	_ =	task.clear_ibuf [dreg:s7], $0x6FFFF;
	_ =	strace $0x90000049  }
0xb3: {  	s29 =	simm.s32 $0x9;
	_ =	strace $0x8000004B  }
0xb4: {  	_ =	swait.ge [sflag:s29], $0x1  }
0xb5: {  	[sflag:s29] =	ssyncadd.s32 $0xFFFFFFFF  }
0xb6: {  	_ =	strace $0x9000004B  }
0xb7: {  	_ =	sfence  }
0xb8: {  	s30 =	sld [smem:$0x0];
	_ =	sdelay $0x2  }
0xb9: {  	s31 =	sshll.u32 s1, $0xD;
	s1 =	sshrl.u32 s1, $0x2  }
0xba: {  	s3 =	sand.u32 $0x4000, s31;
	s1 =	sadd.s32 s1, s30  }
0xbb: {  	s0 =	sor.u32 s3, s0;
	s1 =	sshll.u32 s1, $0x11  }
0xbc: {  	s0 =	sor.u32 s1, s0  }
0xbd: {  	s0 =	sadd.s32 $0x8F2B, s0  }
0xbe: {  	[sflag:s0] =	ssyncadd.remote.s32 $0x1  }
0xbf: {  	_ =	sfence.sel $0xFFFF  }
0xc0: {  	[dreg:$0x0] =	wrdreg $0xFFFFFFFF;
	(pc) =	sbr.abs _section_cstart, $3  }
0xc1: {  	[dreg:$0x1] =	wrdreg $0xFFFFFFFF  }
0xc2: {  	_ =	task.clear_ibuf [dreg:s7], $0x2FFFF;
	_ =	strace $0x9FFFFFFF  }
0xc3: {  	(tm) =	ssettm $0x7FFFFFFF  }
tec
execute0_lowered:
.L_overlay_start_1:
0x0: {  	(tag) =	ssettag $0x1  }
0x1: {  	s6 =	rddreg [dreg:$0x0]  }
0x2: {  	s4 =	rddreg [dreg:$0x1]  }
0x3: {  	s2 =	rddreg [dreg:$0x2]  }
0x4: {  	s0 =	rddreg [dreg:$0x3];
	s1 =	stileid.u32  }
0x5: {  	s3 =	simm.s32 $0x0;
	s7 =	srdreg.scid;
	s14 =	simm.s32 $0xA0  }
0x6: {  	s15 =	simm.s32 $0x1;
	s17 =	simm.s32 $0x0;
	s5 =	smul.u32 $0x9C4, s1  }
0x7: {  	[smem:$0x7FF] =	sst s3;
	s7 =	sand.u32 $0x1, s7;
	s8 =	smul.u32 $0x27800, s1  }
0x8: {  	s12 =	smul.u32 $0x9E00, s1;
	s13 =	sadd.s32 $0x14E00, s4;
	p0 =	seq.s32 s1, $0xF  }
0x9: {  	_ =	strace $0x8000004A;
	s9 =	ssub.s32 $0x2, s7;
	s10 =	smul.u32 $0x9C400, s7  }
0xa: {  	s7 =	smul.u32 $0x13880, s7;
	s11 =	sadd.s32 s5, s4;
	s28 =	sshrl.u32 s9, $0x1  }
0xb: {  	s29 =	sshrl.u32 s8, $0x2;
	s5 =	sadd.s32 $0x94200, s2;
	s16 =	sadd.s32 s12, s2  }
0xc: {  	s9 =	ssub.s32 s9, s28;
	s4 =	sadd.s32 s29, s2;
	s30 =	sadd.s32 s12, s10  }
0xd: {  	s10 =	sshrl.u32 s10, $0x3;
	s6 =	sadd.s32 s6, s7;
	s12 =	simm.s32 $0x2  }
0xe: {  	s16 =	sshrl.u32 @!p0 s16, $0x3;
	s8 =	sshrl.u32 s30, $0x3;
	s31 =	sadd.s32 s13, s10  }
0xf: {  	s9 =	smax.u32 s9, $0x1;
	s10 =	sadd.s32 $0x1200, s11;
	s11 =	sadd.s32 $0xB000, s11  }
0x10: {  	v0 =	vimm.f32 $0.0e+00;
	s7 =	sadd.s32 s13, s8;
	s8 =	sadd.s32 $0x12840, s31;
	s13 =	simm.s32 $0x50  }
.LBB2_1:
0x11: {  	s19 =	simm.s32 $0x100;
	s18 =	simm.s32 $0x0  }
.LBB2_2:
0x12: {  	p1 =	sne.s32 s19, $0x27700;
	[tilespmem:s18+$0x14D0] =	vst v0;
	s20 =	smov.u32 s19;
	s19 =	sadd.s32 $0x100, s19  }
.Ltmp0:
0x13: {  	[tilespmem:s18+$0x14C0] =	vst v0;
	(pc) =	sbr.rel @p1 .LBB2_2-.Ltmp0, $3  }
0x14: {  	[tilespmem:s18+$0x14A0] =	vst v0  }
0x15: {  	[tilespmem:s18+$0x14B0] =	vst v0;
	_ =	sdelay $0x1  }
0x16: {  	s18 =	sshra.s32 s20, $0x2  }
0x17: {  	[tilespmem:s18+$0x14D0] =	vst v0  }
0x18: {  	[tilespmem:s18+$0x14C0] =	vst v0  }
0x19: {  	[tilespmem:s18+$0x14A0] =	vst v0  }
0x1a: {  	[tilespmem:s18+$0x14B0] =	vst v0;
	s18 =	simm.s32 @p0 $0x14A0  }
0x1b: {  	[spmem:s5] =	stream.linear.scatter @p0 [tilespmem:s18], [sflag:$0x2], $0x8200, $0x38;
	[tilespmem:$0x14EE0] =	vst v63  }
0x1c: {  	s18 =	simm.s32 @p0 $0x2  }
0x1d: {  	_ =	swait.ge @p0 [sflag:s18], $0x8200  }
0x1e: {  	[sflag:s18] =	ssyncset.done @p0 $0x0  }
0x1f: {  	[sflag:s18] =	ssyncadd.s32 @p0 $0xFFFF7E00;
	s18 =	simm.s32 @!p0 $0x14A0  }
0x20: {  	[spmem:s4] =	stream.linear.scatter @!p0 [tilespmem:s18], [sflag:$0x2], $0x9E00, $0x38;
	[tilespmem:$0x14EE0] =	vst v63  }
0x21: {  	s18 =	simm.s32 @!p0 $0x2  }
0x22: {  	_ =	swait.ge @!p0 [sflag:s18], $0x9E00  }
0x23: {  	[sflag:s18] =	ssyncset.done @!p0 $0x0  }
0x24: {  	[sflag:s18] =	ssyncadd.s32 @!p0 $0xFFFF6200  }
0x25: {  	s30 =	sadd.s32 $0x0, s11;
	[bflag:$0x0] =	sbarrier.arrive $0xFFFF  }
0x26: {  	[tilespmem:s3], [sflag:$0x2] =	stream.linear.gather [hbm4b:s30+s3], $0x50, $0x38;
	[tilespmem:$0x14EE0] =	vst v63  }
0x27: {  	_ =	swait.ge [sflag:s12], $0x50  }
0x28: {  	[sflag:s12] =	ssyncset.done $0x0  }
0x29: {  	s31 =	sadd.s32 $0x0, s10;
	[sflag:s12] =	ssyncadd.s32 $0xFFFFFFB0  }
0x2a: {  	[tilespmem:s13], [sflag:$0x2] =	stream.linear.gather [hbm4b:s31+s3], $0x50, $0x38;
	[tilespmem:$0x14EE0] =	vst v63  }
0x2b: {  	_ =	swait.ge [sflag:s12], $0x50  }
0x2c: {  	[sflag:s12] =	ssyncset.done $0x0  }
0x2d: {  	[sflag:s12] =	ssyncadd.s32 $0xFFFFFFB0  }
0x2e: {  	[tilespmem:s14], [sflag:$0x1] =	stream.indirect.gather [hbm4b:s6+s13], $0x40, s3, s13, $0xb8;
	[tilespmem:$0x14EE0] =	vst v63  }
0x2f: {  	_ =	swait.ge [sflag:s15], $0x1400  }
0x30: {  	[sflag:s15] =	ssyncset.done $0x0  }
0x31: {  	[sflag:s15] =	ssyncadd.s32 $0xFFFFEC00  }
0x32: {  	[spmem:s2] =	stream.indirect.scatter.add.f32 [tilespmem:s14], [sflag:$0x2], $0x40, s13, s13, $0xb8;
	[tilespmem:$0x14EE0] =	vst v63  }
0x33: {  	_ =	swait.ge [sflag:s12], $0x1400  }
0x34: {  	s19 =	simm.s32 $0x14;
	s18 =	simm.s32 $0xA;
	[sflag:s12] =	ssyncset.done $0x0  }
.LBB2_4:
0x35: {  	s20 =	sadd.s32 s18, s11  }
0x36: {  	[sflag:s12] =	ssyncadd.s32 $0xFFFFEC00;
	s21 =	smov.u32 s19;
	s22 =	sadd.s32 $0xA, s19  }
0x37: {  	[tilespmem:s3], [sflag:$0x2] =	stream.linear.gather [hbm4b:s20+s3], $0x50, $0x38;
	[tilespmem:$0x14EE0] =	vst v63  }
0x38: {  	p1 =	sne.s32 s19, $0x9BA;
	_ =	swait.ge [sflag:s12], $0x50  }
0x39: {  	[sflag:s12] =	ssyncset.done $0x0  }
0x3a: {  	s19 =	sadd.s32 s18, s10;
	s18 =	smov.u32 s21;
	[sflag:s12] =	ssyncadd.s32 $0xFFFFFFB0  }
0x3b: {  	[tilespmem:s13], [sflag:$0x2] =	stream.linear.gather [hbm4b:s19+s3], $0x50, $0x38;
	[tilespmem:$0x14EE0] =	vst v63  }
0x3c: {  	_ =	swait.ge [sflag:s12], $0x50  }
0x3d: {  	[sflag:s12] =	ssyncset.done $0x0  }
0x3e: {  	[sflag:s12] =	ssyncadd.s32 $0xFFFFFFB0  }
0x3f: {  	[tilespmem:s14], [sflag:$0x1] =	stream.indirect.gather [hbm4b:s6+s13], $0x40, s3, s13, $0xb8;
	[tilespmem:$0x14EE0] =	vst v63  }
0x40: {  	_ =	swait.ge [sflag:s15], $0x1400  }
.Ltmp1:
0x41: {  	[sflag:s15] =	ssyncset.done $0x0;
	(pc) =	sbr.rel @p1 .LBB2_4-.Ltmp1, $4  }
0x42: {  	[sflag:s15] =	ssyncadd.s32 $0xFFFFEC00  }
0x43: {  	[spmem:s2] =	stream.indirect.scatter.add.f32 [tilespmem:s14], [sflag:$0x2], $0x40, s13, s13, $0xb8;
	[tilespmem:$0x14EE0] =	vst v63  }
0x44: {  	_ =	swait.ge [sflag:s12], $0x1400  }
0x45: {  	s19 =	smov.u32 s22;
	[sflag:s12] =	ssyncset.done $0x0  }
0x46: {  	s19 =	sadd.s32 s18, s11;
	[sflag:s12] =	ssyncadd.s32 $0xFFFFEC00  }
0x47: {  	[tilespmem:s3], [sflag:$0x2] =	stream.linear.gather [hbm4b:s19+s3], $0x50, $0x38;
	[tilespmem:$0x14EE0] =	vst v63  }
0x48: {  	_ =	swait.ge [sflag:s12], $0x50  }
0x49: {  	[sflag:s12] =	ssyncset.done $0x0  }
0x4a: {  	s31 =	sadd.s32 s18, s10;
	[sflag:s12] =	ssyncadd.s32 $0xFFFFFFB0  }
0x4b: {  	[tilespmem:s13], [sflag:$0x2] =	stream.linear.gather [hbm4b:s31+s3], $0x50, $0x38;
	[tilespmem:$0x14EE0] =	vst v63  }
0x4c: {  	_ =	swait.ge [sflag:s12], $0x50  }
0x4d: {  	[sflag:s12] =	ssyncset.done $0x0  }
0x4e: {  	[sflag:s12] =	ssyncadd.s32 $0xFFFFFFB0  }
0x4f: {  	[tilespmem:s14], [sflag:$0x1] =	stream.indirect.gather [hbm4b:s6+s13], $0x40, s3, s13, $0xb8;
	[tilespmem:$0x14EE0] =	vst v63  }
0x50: {  	_ =	swait.ge [sflag:s15], $0x1400  }
0x51: {  	[sflag:s15] =	ssyncset.done $0x0  }
0x52: {  	[sflag:s15] =	ssyncadd.s32 $0xFFFFEC00  }
0x53: {  	[spmem:s2] =	stream.indirect.scatter.add.f32 [tilespmem:s14], [sflag:$0x2], $0x40, s13, s13, $0xb8;
	[tilespmem:$0x14EE0] =	vst v63  }
0x54: {  	_ =	swait.ge [sflag:s12], $0x1400  }
0x55: {  	[sflag:s12] =	ssyncset.done $0x0  }
0x56: {  	[sflag:s12] =	ssyncadd.s32 $0xFFFFEC00  }
0x57: {  	s18 =	sshrl.u32 @p0 s5, $0x3;
	s19 =	simm.s32 @p0 $0x1FC2;
	[bflag:$0x0] =	sbarrier.arrive $0xFFFF  }
0x58: {  	[hbm:s8], [sflag:s19] =	dma.local @p0 [spmem:s18], $0x1040  }
0x59: {  	s18 =	simm.s32 @p0 $0x2  }
0x5a: {  	_ =	swait.ge @p0 [sflag:s18], $0x1040  }
0x5b: {  	s17 =	sadd.s32 $0x1, s17;
	s19 =	sshll.u32 @!p0 s1, $0x6;
	[sflag:s18] =	ssyncset.done @p0 $0x0  }
0x5c: {  	p1 =	sne.s32 s17, s9;
	[sflag:s18] =	ssyncadd.s32 @p0 $0xFFFFEFC0;
	s18 =	sor.u32 @!p0 $0x1C02, s19  }
0x5d: {  	[hbm:s7], [sflag:s18] =	dma.local @!p0 [spmem:s16], $0x13C0  }
.Ltmp2:
0x5e: {  	_ = 	snop;
	(pc) =	sbr.rel @p1 .LBB2_1-.Ltmp2, $4  }
0x5f: {  	s18 =	simm.s32 @!p0 $0x2  }
0x60: {  	_ =	swait.ge @!p0 [sflag:s18], $0x13C0  }
0x61: {  	[sflag:s18] =	ssyncset.done @!p0 $0x0  }
0x62: {  	[sflag:s18] =	ssyncadd.s32 @!p0 $0xFFFFEC40  }
0x63: {  	_ =	sfence.sel $0x180000  }
0x64: {  	[bflag:$0x0] =	sbarrier.arrive $0xFFFF  }
0x65: {  	p0 =	sne.s32 s1, $0x0;
	_ =	strace $0x9000004A  }
0x66: {  	s0 =	sadd.s32 @!p0 $0x100000, s0;
	[bflag:$0x2] =	sbarrier.arrive $0xFFFF  }
0x67: {  	[sflag:s0] =	ssyncadd.tile.s32 @!p0 $0x1;
	_ =	shalt  }
.Lfunc_end2:
_tile_overlayer_lowered:
.L_overlay_start_2:
0x68: {  	(tag) =	ssettag $0x2  }
0x69: {  	s0 =	rddreg [dreg:$0x0];
	s2 =	stileid.u32  }
0x6a: {  	s1 =	rddreg [dreg:$0x1];
	p0 =	sne.s32 s2, $0x0  }
0x6b: {  	s3 =	rddreg [dreg:$0x2];
	[bflag:$0x3] =	sbarrier.arrive $0xFFFF;
	s2 =	simm.s32 @!p0 $0x1C02  }
0x6c: {  	[timem:s3], [sflag:s2] =	dma.local @!p0 [hbm:s0], s1  }
0x6d: {  	s0 =	simm.s32 @!p0 $0x2  }
0x6e: {  	_ =	swait.ge @!p0 [sflag:s0], s1  }
0x6f: {  	s1 =	ssub.s32 @!p0 $0x0, s1;
	[sflag:s0] =	ssyncset.done @!p0 $0x0  }
0x70: {  	[sflag:s0] =	ssyncadd.s32 @!p0 s1  }
0x71: {  	[bflag:$0x3] =	sbarrier.arrive $0xFFFF  }
0x72: {  	_ =	shalt  }

</sc_bundles>
